<compile_context>
chip_gen: v7x
topology: tpu7x:2x2x1
jax: 0.10.2.dev20260603
libtpu: 0.0.44.dev20260713+nightly
codegen_flags: <defaults>
</compile_context>

<pallas_src>
import functools

import jax
import jax.numpy as jnp
from jax.experimental import pallas as pl
from jax.experimental.pallas import tpu as pltpu
from jax.experimental.pallas import tpu_sc as plsc

NPOINT = 512
RADIUS = 0.4
K = 64
SUB = 8


def _fps_kernel(xyzh_ref, xs_ref, ys_ref, zs_ref, idx_ref, new_ref, *scratch):
    xyzs_ref = scratch[0]
    dma_sem = scratch[1]
    dists_refs = scratch[2:]
    pltpu.make_async_copy(xyzh_ref, xyzs_ref, dma_sem).start()
    pltpu.make_async_copy(xyzh_ref, xyzs_ref, dma_sem).wait()
    _fps_body(xyzs_ref, xs_ref, ys_ref, zs_ref, idx_ref, new_ref, dists_refs)


def _fps_body(xyzs_ref, xs_ref, ys_ref, zs_ref, idx_ref, new_ref, dists_refs):
    nb = xs_ref.shape[0]
    ncol = dists_refs[0].shape[1]
    xs_ref, ys_ref, zs_ref = xs_ref.at[:, 0], ys_ref.at[:, 0], zs_ref.at[:, 0]
    n = SUB * ncol
    for b in range(nb):
        dists_refs[b][...] = jnp.full((SUB, ncol), 1e10, dtype=jnp.float32)
    flat_iota = (
        jax.lax.broadcasted_iota(jnp.int32, (SUB, ncol), 0) * ncol
        + jax.lax.broadcasted_iota(jnp.int32, (SUB, ncol), 1)
    )

    def body(i, fars):
        dnews = []
        for b in range(nb):
            far = fars[b]
            cx = xyzs_ref[b, 3 * far]
            cy = xyzs_ref[b, 3 * far + 1]
            cz = xyzs_ref[b, 3 * far + 2]
            idx_ref[b, 0, i] = far
            new_ref[b, 0, 3 * i] = cx
            new_ref[b, 0, 3 * i + 1] = cy
            new_ref[b, 0, 3 * i + 2] = cz
            dx = xs_ref[b] - cx
            dy = ys_ref[b] - cy
            dz = zs_ref[b] - cz
            d = dx * dx + dy * dy + dz * dz
            dnews.append(jnp.minimum(dists_refs[b][...], d))
        ms = [jnp.max(dnews[b]) for b in range(nb)]
        for b in range(nb):
            dists_refs[b][...] = dnews[b]
        cands = [jnp.where(dnews[b] == ms[b], flat_iota, n) for b in range(nb)]
        return tuple(jnp.min(cands[b]).astype(jnp.int32) for b in range(nb))

    jax.lax.fori_loop(0, NPOINT, body, (jnp.int32(0),) * nb)


def _fps_call(points_xyz, xyz_t):
    b, n, _ = points_xyz.shape
    xt4 = xyz_t.reshape(b, 3, SUB, n // SUB)
    idx, new_xyz = pl.pallas_call(
        _fps_kernel,
        grid=(1,),
        in_specs=[
            pl.BlockSpec(memory_space=pl.ANY),
            pl.BlockSpec((b, 1, SUB, n // SUB), lambda g: (0, 0, 0, 0)),
            pl.BlockSpec((b, 1, SUB, n // SUB), lambda g: (0, 1, 0, 0)),
            pl.BlockSpec((b, 1, SUB, n // SUB), lambda g: (0, 2, 0, 0)),
        ],
        out_specs=[
            pl.BlockSpec((b, 1, NPOINT), lambda g: (0, 0, 0), memory_space=pltpu.SMEM),
            pl.BlockSpec(
                (b, 1, 3 * NPOINT), lambda g: (0, 0, 0), memory_space=pltpu.SMEM
            ),
        ],
        out_shape=[
            jax.ShapeDtypeStruct((b, 1, NPOINT), jnp.int32),
            jax.ShapeDtypeStruct((b, 1, 3 * NPOINT), jnp.float32),
        ],
        scratch_shapes=[pltpu.SMEM((b, 3 * n), jnp.float32), pltpu.SemaphoreType.DMA]
        + [pltpu.VMEM((SUB, n // SUB), jnp.float32) for _ in range(b)],
    )(points_xyz.reshape(b, 3 * n), xt4, xt4, xt4)
    return idx.reshape(b, NPOINT), new_xyz.reshape(b, NPOINT, 3)


_NC = 512


def _ballquery_kernel(newxyz_ref, xr_ref, yr_ref, zr_ref, gidx_ref):
    xr_ref, yr_ref, zr_ref = xr_ref.at[:, 0], yr_ref.at[:, 0], zr_ref.at[:, 0]
    nchunks = xr_ref.shape[1]
    m = newxyz_ref.shape[1]
    r2 = RADIUS * RADIUS
    cx = newxyz_ref[0, :, 0:1]
    cy = newxyz_ref[0, :, 1:2]
    cz = newxyz_ref[0, :, 2:3]
    tri = jnp.where(
        jax.lax.broadcasted_iota(jnp.int32, (_NC, _NC), 0)
        <= jax.lax.broadcasted_iota(jnp.int32, (_NC, _NC), 1),
        1.0,
        0.0,
    ).astype(jnp.bfloat16)
    ones_nc = jnp.ones((_NC, 1), dtype=jnp.bfloat16)

    def cond(carry):
        t, _, base = carry
        return jnp.logical_and(t < nchunks, jnp.min(base) < jnp.float32(K))

    def chunk_body(carry):
        t, acc, base = carry
        px = xr_ref[0, pl.ds(t, 1), :]
        py = yr_ref[0, pl.ds(t, 1), :]
        pz = zr_ref[0, pl.ds(t, 1), :]
        dx = cx - px
        dy = cy - py
        dz = cz - pz
        d2 = dx * dx + dy * dy + dz * dz
        valid = jnp.where(d2 < r2, 1.0, 0.0).astype(jnp.bfloat16)
        s = (
            jax.lax.dot_general(
                valid, tri, (((1,), (0,)), ((), ())),
                preferred_element_type=jnp.float32,
            )
            + base
        )
        sbf = s.astype(jnp.bfloat16)
        cols = []
        for j in range(K):
            mask = jnp.where(
                sbf <= jnp.bfloat16(j), jnp.bfloat16(1), jnp.bfloat16(0)
            )
            cols.append(
                jax.lax.dot_general(
                    mask, ones_nc, (((1,), (0,)), ((), ())),
                    preferred_element_type=jnp.float32,
                )
            )
        return t + 1, acc + jnp.concatenate(cols, axis=1), s[:, _NC - 1 : _NC]

    _, acc, total = jax.lax.while_loop(
        cond,
        chunk_body,
        (
            jnp.int32(0),
            jnp.zeros((m, K), dtype=jnp.float32),
            jnp.zeros((m, 1), dtype=jnp.float32),
        ),
    )
    raw = acc
    first = raw[:, 0:1]
    first = jnp.where(total >= 1.0, first, 0.0)
    jcol = jax.lax.broadcasted_iota(jnp.int32, (m, K), 1).astype(jnp.float32)
    gidx = jnp.where(jcol < total, raw, first)
    gidx_ref[0] = gidx.astype(jnp.int32)


def _ballquery_call(points_xyz, new_xyz, xyz_t):
    b, n, _ = points_xyz.shape
    nchunks = n // _NC
    xt4 = xyz_t.reshape(b, 3, nchunks, _NC)
    gidx = pl.pallas_call(
        _ballquery_kernel,
        grid=(b,),
        in_specs=[
            pl.BlockSpec((1, NPOINT, 3), lambda i: (i, 0, 0)),
            pl.BlockSpec((1, 1, nchunks, _NC), lambda i: (i, 0, 0, 0)),
            pl.BlockSpec((1, 1, nchunks, _NC), lambda i: (i, 1, 0, 0)),
            pl.BlockSpec((1, 1, nchunks, _NC), lambda i: (i, 2, 0, 0)),
        ],
        out_specs=pl.BlockSpec((1, NPOINT, K), lambda i: (i, 0, 0)),
        out_shape=jax.ShapeDtypeStruct((b, NPOINT, K), jnp.int32),
    )(new_xyz, xt4, xt4, xt4)
    return gidx


_ZT = 2048


def _buildz_kernel(f_ref, xyz_ref, w0f_ref, w0x_ref, b0_ref, z_ref):
    fpart = jax.lax.dot_general(
        f_ref[0], w0f_ref[...], (((0,), (1,)), ((), ())),
        preferred_element_type=jnp.float32,
    )
    xpart = jax.lax.dot_general(
        xyz_ref[0], w0x_ref[...], (((1,), (1,)), ((), ())),
        preferred_element_type=jnp.float32,
    )
    z_ref[0] = fpart + xpart + b0_ref[...]


def _buildz_call(features, points_xyz, W0, b0):
    b, c, n = features.shape
    o = W0.shape[0]
    w0x = W0[:, :3]
    w0f = W0[:, 3:]
    z = pl.pallas_call(
        _buildz_kernel,
        grid=(b, n // _ZT),
        in_specs=[
            pl.BlockSpec((1, c, _ZT), lambda i, t: (i, 0, t)),
            pl.BlockSpec((1, _ZT, 3), lambda i, t: (i, t, 0)),
            pl.BlockSpec((o, c), lambda i, t: (0, 0)),
            pl.BlockSpec((o, 3), lambda i, t: (0, 0)),
            pl.BlockSpec((1, o), lambda i, t: (0, 0)),
        ],
        out_specs=pl.BlockSpec((1, _ZT, o), lambda i, t: (i, t, 0)),
        out_shape=jax.ShapeDtypeStruct((b, n, o), jnp.float32),
    )(features, points_xyz, w0f, w0x, b0.reshape(1, o))
    return z.reshape(b * n, o)


_GW = 256


def _sc_gather(table, flat_idx):
    num = flat_idx.shape[0]
    o = table.shape[1]
    idx2 = flat_idx.reshape(1, num)
    mesh = plsc.VectorSubcoreMesh(core_axis_name="c", subcore_axis_name="s")

    @functools.partial(
        pl.kernel,
        out_type=jax.ShapeDtypeStruct((num, o), table.dtype),
        mesh=mesh,
    )
    def gather_kernel(x_hbm, i_hbm, o_hbm):
        def body(i_vmem, o_vmem):
            pltpu.sync_copy(x_hbm.at[i_vmem.at[0]], o_vmem)

        pltpu.emit_pipeline(
            body,
            grid=(num // _GW,),
            in_specs=[pl.BlockSpec((1, _GW), index_map=lambda i: (0, i))],
            out_specs=[pl.BlockSpec((_GW, o), index_map=lambda i: (i, 0))],
            core_axis_name=("c", "s"),
            dimension_semantics=(pltpu.PARALLEL,),
        )(i_hbm, o_hbm)

    return gather_kernel(table, idx2)


_MT = 64


def _mlp_kernel(g_ref, nxyz_ref, w0x_ref, w1t_ref, b1_ref, w2t_ref, b2_ref, out_ref):
    o0 = g_ref.shape[1]
    o2 = w2t_ref.shape[1]
    cterm = jax.lax.dot_general(
        nxyz_ref[0], w0x_ref[...], (((1,), (1,)), ((), ())),
        preferred_element_type=jnp.float32,
    )
    g3 = g_ref[...].reshape(_MT, K, o0)
    h0 = jnp.maximum(
        g3 - jnp.broadcast_to(cterm.reshape(_MT, 1, o0), (_MT, K, o0)), 0.0
    )
    h0f = h0.reshape(_MT * K, o0).astype(jnp.bfloat16)
    h1 = jnp.maximum(
        jax.lax.dot_general(
            h0f, w1t_ref[...], (((1,), (0,)), ((), ())),
            preferred_element_type=jnp.float32,
        )
        + b1_ref[...],
        0.0,
    ).astype(jnp.bfloat16)
    h2 = jnp.maximum(
        jax.lax.dot_general(
            h1, w2t_ref[...], (((1,), (0,)), ((), ())),
            preferred_element_type=jnp.float32,
        )
        + b2_ref[...],
        0.0,
    )
    pooled = jnp.max(h2.reshape(_MT, K, o2), axis=1)
    out_ref[0] = pooled


def _mlp_call(gathered, new_xyz, W0, W1, b1, W2, b2):
    b = new_xyz.shape[0]
    o0 = W0.shape[0]
    o1 = W1.shape[0]
    o2 = W2.shape[0]
    w0x = W0[:, :3]
    w1t = W1.T.astype(jnp.bfloat16)
    w2t = W2.T.astype(jnp.bfloat16)
    tiles = NPOINT // _MT
    pooled = pl.pallas_call(
        _mlp_kernel,
        grid=(b, tiles),
        in_specs=[
            pl.BlockSpec((_MT * K, o0), lambda i, t: (i * tiles + t, 0)),
            pl.BlockSpec((1, _MT, 3), lambda i, t: (i, t, 0)),
            pl.BlockSpec((o0, 3), lambda i, t: (0, 0)),
            pl.BlockSpec((o0, o1), lambda i, t: (0, 0)),
            pl.BlockSpec((1, o1), lambda i, t: (0, 0)),
            pl.BlockSpec((o1, o2), lambda i, t: (0, 0)),
            pl.BlockSpec((1, o2), lambda i, t: (0, 0)),
        ],
        out_specs=pl.BlockSpec((1, _MT, o2), lambda i, t: (i, t, 0)),
        out_shape=jax.ShapeDtypeStruct((b, NPOINT, o2), jnp.float32),
    )(
        gathered,
        new_xyz,
        w0x,
        w1t,
        b1.reshape(1, o1),
        w2t,
        b2.reshape(1, o2),
    )
    return pooled


def kernel(points_xyz, features, W0, b0, W1, b1, W2, b2):
    b, n, _ = points_xyz.shape
    xyz_t = jnp.transpose(points_xyz, (0, 2, 1))
    idx, new_xyz = _fps_call(points_xyz, xyz_t)
    gidx = _ballquery_call(points_xyz, new_xyz, xyz_t)
    z = _buildz_call(features, points_xyz, W0, b0)
    offs = (jnp.arange(b, dtype=jnp.int32) * n).reshape(b, 1, 1)
    flat_idx = (gidx + offs).reshape(b * NPOINT * K)
    gathered = _sc_gather(z, flat_idx)
    pooled = _mlp_call(gathered, new_xyz, W0, W1, b1, W2, b2)
    new_features = jnp.transpose(pooled, (0, 2, 1))
    return (new_xyz, new_features, idx)

# --- scband reference (transcript-rebuilt; emitter-appended) ---
"""Pipeline reference for scband-point-samodule-base-14723147891307 (READ-ONLY COPY).

The authoritative reference and input builder live on the scoring server;
editing this copy changes nothing except your own understanding.
"""

import jax, jax.numpy as jnp
import numpy as np

NPOINT = 512
RADIUS = 0.4
K = 64


def fps(xyz, npoint):
    B, N, _ = xyz.shape

    def body(i, state):
        idxs, dists, farthest = state
        idxs = idxs.at[:, i].set(farthest)
        centroid = xyz[jnp.arange(B), farthest]
        d = jnp.sum((xyz - centroid[:, None, :]) ** 2, axis=-1)
        dists = jnp.minimum(dists, d)
        farthest = jnp.argmax(dists, axis=-1).astype(jnp.int32)
        return (idxs, dists, farthest)

    idxs = jnp.zeros((B, npoint), dtype=jnp.int32)
    dists = jnp.full((B, N), 1e10, dtype=xyz.dtype)
    farthest = jnp.zeros((B,), dtype=jnp.int32)
    idxs, _, _ = jax.lax.fori_loop(0, npoint, body, (idxs, dists, farthest))
    return idxs


def ball_query(xyz, new_xyz, radius, k):
    B, N, _ = xyz.shape
    dist2 = jnp.sum((new_xyz[:, :, None, :] - xyz[:, None, :, :]) ** 2, axis=-1)
    valid = dist2 < radius * radius
    cand = jnp.where(valid, jnp.arange(N)[None, None, :], N)
    cand = jnp.sort(cand, axis=-1)[:, :, :k]
    first = cand[:, :, :1]
    first = jnp.where(first == N, 0, first)
    return jnp.where(cand == N, first, cand).astype(jnp.int32)


def setup_inputs(seed: int = 0):
    key = jax.random.key(seed)
    ks = jax.random.split(key, 8)
    B, N, C = 4, 8192, 128
    points_xyz = jax.random.uniform(ks[0], (B, N, 3), dtype=jnp.float32)
    features = jax.random.normal(ks[1], (B, C, N), dtype=jnp.float32)
    W0 = jax.random.normal(ks[2], (128, C + 3), dtype=jnp.float32) * 0.05
    b0 = jnp.zeros((128,), dtype=jnp.float32)
    W1 = jax.random.normal(ks[3], (128, 128), dtype=jnp.float32) * 0.05
    b1 = jnp.zeros((128,), dtype=jnp.float32)
    W2 = jax.random.normal(ks[4], (256, 128), dtype=jnp.float32) * 0.05
    b2 = jnp.zeros((256,), dtype=jnp.float32)
    return {"points_xyz": points_xyz, "features": features, "W0": W0, "b0": b0, "W1": W1, "b1": b1, "W2": W2, "b2": b2}


def reference(points_xyz, features, W0, b0, W1, b1, W2, b2):
    B, N, _ = points_xyz.shape
    idx = fps(points_xyz, NPOINT)
    bidx = jnp.arange(B)[:, None]
    new_xyz = points_xyz[bidx, idx]
    gidx = ball_query(points_xyz, new_xyz, RADIUS, K)
    b3 = jnp.arange(B)[:, None, None]
    grouped_xyz = points_xyz[b3, gidx] - new_xyz[:, :, None, :]
    feats_t = jnp.transpose(features, (0, 2, 1))
    grouped_feat = feats_t[b3, gidx]
    g = jnp.concatenate([grouped_xyz, grouped_feat], axis=-1)
    h = jax.nn.relu(jnp.einsum('bmkc,oc->bmko', g, W0) + b0)
    h = jax.nn.relu(jnp.einsum('bmkc,oc->bmko', h, W1) + b1)
    h = jax.nn.relu(jnp.einsum('bmkc,oc->bmko', h, W2) + b2)
    pooled = jnp.max(h, axis=2)
    new_features = jnp.transpose(pooled, (0, 2, 1))
    return (new_xyz, new_features, idx)

if __name__ == "__main__":
    import jax
    _d = setup_inputs()
    print(jax.jit(kernel)(*tuple(_d.values())))

</pallas_src>

<mosaic_0001>
#map = affine_map<(d0, d1) -> (0, 0)>
module attributes {stable_mosaic.version = 14 : i64} {
  func.func @gather_kernel(%arg0: i32, %arg1: i32, %arg2: memref<32768x128xf32, #tpu.memory_space<hbm>>, %arg3: memref<1x131072xi32, #tpu.memory_space<hbm>>, %arg4: memref<131072x128xf32, #tpu.memory_space<hbm>>) attributes {dimension_semantics = [#tpu.dimension_semantics<core_parallel>, #tpu.dimension_semantics<subcore_parallel>], iteration_bounds = array<i64: 2, 16>, scalar_prefetch = 0 : i64, scratch_operands = 0 : i64, tpu.core_type = #tpu.core_type<sc_vector_subcore>, window_params = [{transform_indices = #map}, {transform_indices = #map}, {transform_indices = #map}]} {
    %mul3A = arith.constant 1 : i32
    %mul3A_0 = arith.muli %arg1, %mul3A : i32
    %add3A = arith.constant 0 : i32
    %add3A_1 = arith.addi %add3A, %mul3A_0 : i32
    %mul3A_2 = arith.constant 16 : i32
    %mul3A_3 = arith.muli %arg0, %mul3A_2 : i32
    %add3A_4 = arith.addi %add3A_1, %mul3A_3 : i32
    %mul3A_5 = arith.constant 16 : i32
    %mul3A_6 = arith.muli %add3A_4, %mul3A_5 : i32
    "tpu.region"() ({
      %run_scoped3A = memref.alloca() : memref<2x1x256xi32, #tpu.memory_space<vmem>>
      %run_scoped3A_7 = tpu.sem_alloc : memref<2x!tpu.dma_semaphore, #tpu.memory_space<semaphore_mem>>
      %run_scoped3A_8 = memref.alloca() : memref<2x256x128xf32, #tpu.memory_space<vmem>>
      %run_scoped3A_9 = tpu.sem_alloc : memref<2x!tpu.dma_semaphore, #tpu.memory_space<semaphore_mem>>
      %add3A_10 = arith.constant 0 : i32
      %add3A_11 = arith.addi %add3A_10, %mul3A_6 : i32
      %select_n3A = arith.constant true
      %select_n3A_12 = arith.constant 0 : i32
      %select_n3A_13 = arith.constant -1 : i32
      %select_n3A_14 = arith.select %select_n3A, %select_n3A_13, %select_n3A_12 : i32
      %eq3A = arith.constant -1 : i32
      %eq3A_15 = arith.cmpi eq, %select_n3A_14, %eq3A : i32
      %select_n3A_16 = arith.constant 15 : i32
      %select_n3A_17 = arith.select %eq3A_15, %select_n3A_16, %select_n3A_14 : i32
      %add3A_18 = arith.addi %select_n3A_17, %mul3A_6 : i32
      %select_n3A_19 = arith.constant true
      %select_n3A_20 = arith.constant 0 : i32
      %select_n3A_21 = arith.constant 1 : i32
      %select_n3A_22 = arith.select %select_n3A_19, %select_n3A_21, %select_n3A_20 : i32
      %eq3A_23 = arith.constant 16 : i32
      %eq3A_24 = arith.cmpi eq, %select_n3A_22, %eq3A_23 : i32
      %select_n3A_25 = arith.constant 0 : i32
      %select_n3A_26 = arith.select %eq3A_24, %select_n3A_25, %select_n3A_22 : i32
      %add3A_27 = arith.addi %select_n3A_26, %mul3A_6 : i32
      %add3A_28 = arith.constant 1 : i32
      %add3A_29 = arith.addi %select_n3A_26, %add3A_28 : i32
      %select_n3A_30 = arith.constant true
      %select_n3A_31 = arith.select %select_n3A_30, %add3A_29, %select_n3A_26 : i32
      %eq3A_32 = arith.constant 16 : i32
      %eq3A_33 = arith.cmpi eq, %select_n3A_31, %eq3A_32 : i32
      %select_n3A_34 = arith.constant 0 : i32
      %select_n3A_35 = arith.select %eq3A_33, %select_n3A_34, %select_n3A_31 : i32
      %add3A_36 = arith.addi %select_n3A_35, %mul3A_6 : i32
      "tpu.trace_start"() <{level = 10 : i32, message = "ep_initialize_0"}> : () -> ()
      %rem3A = arith.constant 0 : i32
      %rem3A_37 = arith.constant 2 : i32
      %rem3A_38 = arith.remui %rem3A, %rem3A_37 : i32
      %mul3A_39 = arith.constant 256 : i32
      %mul3A_40 = arith.muli %mul3A_39, %add3A_11 : i32
      %dma_start3A = arith.constant 0 : i32
      %dma_start3A_41 = arith.constant 0 : i32
      %dma_start3A_42 = tpu.memref_slice %run_scoped3A[%rem3A_38, %dma_start3A, %dma_start3A_41] : memref<2x1x256xi32, #tpu.memory_space<vmem>> -> memref<1x1x256xi32, #tpu.memory_space<vmem>>
      %dma_start3A_43 = tpu.memref_squeeze %dma_start3A_42 : memref<1x1x256xi32, #tpu.memory_space<vmem>> -> memref<1x256xi32, #tpu.memory_space<vmem>>
      %dma_start3A_44 = arith.constant 0 : i32
      %dma_start3A_45 = tpu.memref_slice %arg3[%dma_start3A_44, %mul3A_40] : memref<1x131072xi32, #tpu.memory_space<hbm>> -> memref<1x256xi32, #tpu.memory_space<hbm>>
      %dma_start3A_46 = tpu.memref_slice %run_scoped3A_7[%rem3A_38] : memref<2x!tpu.dma_semaphore, #tpu.memory_space<semaphore_mem>> -> memref<1x!tpu.dma_semaphore, #tpu.memory_space<semaphore_mem>>
      %dma_start3A_47 = tpu.memref_squeeze %dma_start3A_46 : memref<1x!tpu.dma_semaphore, #tpu.memory_space<semaphore_mem>> -> memref<!tpu.dma_semaphore, #tpu.memory_space<semaphore_mem>>
      %dma_start3A_48 = arith.constant 0 : i32
      %dma_start3A_49 = arith.constant 0 : i32
      %dma_start3A_50 = tpu.memref_slice %run_scoped3A[%rem3A_38, %dma_start3A_48, %dma_start3A_49] : memref<2x1x256xi32, #tpu.memory_space<vmem>> -> memref<1x1x256xi32, #tpu.memory_space<vmem>>
      %dma_start3A_51 = tpu.memref_squeeze %dma_start3A_50 : memref<1x1x256xi32, #tpu.memory_space<vmem>> -> memref<1x256xi32, #tpu.memory_space<vmem>>
      %dma_start3A_52 = arith.constant 0 : i32
      %dma_start3A_53 = tpu.memref_slice %arg3[%dma_start3A_52, %mul3A_40] : memref<1x131072xi32, #tpu.memory_space<hbm>> -> memref<1x256xi32, #tpu.memory_space<hbm>>
      tpu.enqueue_dma source(%dma_start3A_53 : memref<1x256xi32, #tpu.memory_space<hbm>>) target(%dma_start3A_51 : memref<1x256xi32, #tpu.memory_space<vmem>>) target_semaphore(%dma_start3A_47 : memref<!tpu.dma_semaphore, #tpu.memory_space<semaphore_mem>>)
      %add3A_54 = arith.constant 0 : i32
      %add3A_55 = arith.constant 1 : i32
      %add3A_56 = arith.addi %add3A_54, %add3A_55 : i32
      %select_n3A_57 = arith.constant true
      %select_n3A_58 = arith.constant 0 : i32
      %select_n3A_59 = arith.select %select_n3A_57, %add3A_56, %select_n3A_58 : i32
      "tpu.trace_stop"() : () -> ()
      %scan3A = arith.constant 0 : i32
      %scan3A_60 = arith.constant 0 : i32
      %scan3A_61 = arith.constant 0 : i32
      %scan3A_62 = arith.constant 0 : i32
      %scan3A_63 = arith.constant 0 : i32
      %scan3A_64 = arith.constant 16 : i32
      %scan3A_65 = arith.addi %scan3A_63, %scan3A_64 : i32
      %scan3A_66 = arith.constant 1 : i32
      %scan3A_67:5 = scf.for %scan3A_121 = %scan3A_63 to %scan3A_65 step %scan3A_66 iter_args(%scan3A_122 = %select_n3A_59, %scan3A_123 = %scan3A, %scan3A_124 = %scan3A_60, %scan3A_125 = %scan3A_61, %scan3A_126 = %scan3A_62) -> (i32, i32, i32, i32, i32)  : i32 {
        %eq3A_127 = arith.constant 0 : i32
        %eq3A_128 = arith.cmpi eq, %scan3A_121, %eq3A_127 : i32
        %eq3A_129 = arith.constant 15 : i32
        %eq3A_130 = arith.cmpi eq, %scan3A_121, %eq3A_129 : i32
        %add3A_131 = arith.addi %scan3A_126, %mul3A_6 : i32
        %sub3A_132 = arith.constant 1 : i32
        %sub3A_133 = arith.subi %scan3A_126, %sub3A_132 : i32
        %select_n3A_134 = arith.constant true
        %select_n3A_135 = arith.select %select_n3A_134, %sub3A_133, %scan3A_126 : i32
        %eq3A_136 = arith.constant -1 : i32
        %eq3A_137 = arith.cmpi eq, %select_n3A_135, %eq3A_136 : i32
        %select_n3A_138 = arith.constant 15 : i32
        %select_n3A_139 = arith.select %eq3A_137, %select_n3A_138, %select_n3A_135 : i32
        %add3A_140 = arith.addi %select_n3A_139, %mul3A_6 : i32
        %add3A_141 = arith.constant 1 : i32
        %add3A_142 = arith.addi %scan3A_126, %add3A_141 : i32
        %select_n3A_143 = arith.constant true
        %select_n3A_144 = arith.select %select_n3A_143, %add3A_142, %scan3A_126 : i32
        %eq3A_145 = arith.constant 16 : i32
        %eq3A_146 = arith.cmpi eq, %select_n3A_144, %eq3A_145 : i32
        %select_n3A_147 = arith.constant 0 : i32
        %select_n3A_148 = arith.select %eq3A_146, %select_n3A_147, %select_n3A_144 : i32
        %add3A_149 = arith.addi %select_n3A_148, %mul3A_6 : i32
        %add3A_150 = arith.constant 1 : i32
        %add3A_151 = arith.addi %select_n3A_148, %add3A_150 : i32
        %select_n3A_152 = arith.constant true
        %select_n3A_153 = arith.select %select_n3A_152, %add3A_151, %select_n3A_148 : i32
        %eq3A_154 = arith.constant 16 : i32
        %eq3A_155 = arith.cmpi eq, %select_n3A_153, %eq3A_154 : i32
        %select_n3A_156 = arith.constant 0 : i32
        %select_n3A_157 = arith.select %eq3A_155, %select_n3A_156, %select_n3A_153 : i32
        %add3A_158 = arith.addi %select_n3A_157, %mul3A_6 : i32
        %ne3A = arith.cmpi ne, %add3A_131, %add3A_149 : i32
        %or3A = arith.constant false
        %or3A_159 = arith.ori %or3A, %ne3A : i1
        %ge3A = arith.constant 15 : i32
        %ge3A_160 = arith.cmpi sge, %scan3A_121, %ge3A : i32
        %not3A = arith.constant true
        %not3A_161 = arith.xori %ge3A_160, %not3A : i1
        %and3A = arith.andi %or3A_159, %not3A_161 : i1
        %convert_element_type3A = arith.extui %and3A : i1 to i32
        %cond3A = arith.constant 0 : i32
        %cond3A_162 = arith.cmpi ne, %convert_element_type3A, %cond3A : i32
        scf.if %cond3A_162 {
          "tpu.trace_start"() <{level = 10 : i32, message = "ep_copy_in"}> : () -> ()
          %rem3A_264 = arith.constant 2 : i32
          %rem3A_265 = arith.remui %scan3A_122, %rem3A_264 : i32
          %mul3A_266 = arith.constant 256 : i32
          %mul3A_267 = arith.muli %mul3A_266, %add3A_149 : i32
          %dma_start3A_268 = arith.constant 0 : i32
          %dma_start3A_269 = arith.constant 0 : i32
          %dma_start3A_270 = tpu.memref_slice %run_scoped3A[%rem3A_265, %dma_start3A_268, %dma_start3A_269] : memref<2x1x256xi32, #tpu.memory_space<vmem>> -> memref<1x1x256xi32, #tpu.memory_space<vmem>>
          %dma_start3A_271 = tpu.memref_squeeze %dma_start3A_270 : memref<1x1x256xi32, #tpu.memory_space<vmem>> -> memref<1x256xi32, #tpu.memory_space<vmem>>
          %dma_start3A_272 = arith.constant 0 : i32
          %dma_start3A_273 = tpu.memref_slice %arg3[%dma_start3A_272, %mul3A_267] : memref<1x131072xi32, #tpu.memory_space<hbm>> -> memref<1x256xi32, #tpu.memory_space<hbm>>
          %dma_start3A_274 = tpu.memref_slice %run_scoped3A_7[%rem3A_265] : memref<2x!tpu.dma_semaphore, #tpu.memory_space<semaphore_mem>> -> memref<1x!tpu.dma_semaphore, #tpu.memory_space<semaphore_mem>>
          %dma_start3A_275 = tpu.memref_squeeze %dma_start3A_274 : memref<1x!tpu.dma_semaphore, #tpu.memory_space<semaphore_mem>> -> memref<!tpu.dma_semaphore, #tpu.memory_space<semaphore_mem>>
          %dma_start3A_276 = arith.constant 0 : i32
          %dma_start3A_277 = arith.constant 0 : i32
          %dma_start3A_278 = tpu.memref_slice %run_scoped3A[%rem3A_265, %dma_start3A_276, %dma_start3A_277] : memref<2x1x256xi32, #tpu.memory_space<vmem>> -> memref<1x1x256xi32, #tpu.memory_space<vmem>>
          %dma_start3A_279 = tpu.memref_squeeze %dma_start3A_278 : memref<1x1x256xi32, #tpu.memory_space<vmem>> -> memref<1x256xi32, #tpu.memory_space<vmem>>
          %dma_start3A_280 = arith.constant 0 : i32
          %dma_start3A_281 = tpu.memref_slice %arg3[%dma_start3A_280, %mul3A_267] : memref<1x131072xi32, #tpu.memory_space<hbm>> -> memref<1x256xi32, #tpu.memory_space<hbm>>
          tpu.enqueue_dma source(%dma_start3A_281 : memref<1x256xi32, #tpu.memory_space<hbm>>) target(%dma_start3A_279 : memref<1x256xi32, #tpu.memory_space<vmem>>) target_semaphore(%dma_start3A_275 : memref<!tpu.dma_semaphore, #tpu.memory_space<semaphore_mem>>)
          "tpu.trace_stop"() : () -> ()
        } else {
        }
        %and3A_163 = arith.constant true
        %and3A_164 = arith.andi %and3A, %and3A_163 : i1
        %add3A_165 = arith.constant 1 : i32
        %add3A_166 = arith.addi %scan3A_122, %add3A_165 : i32
        %select_n3A_167 = arith.select %and3A_164, %add3A_166, %scan3A_122 : i32
        %ne3A_168 = arith.cmpi ne, %add3A_131, %add3A_149 : i32
        %or3A_169 = arith.constant false
        %or3A_170 = arith.ori %or3A_169, %ne3A_168 : i1
        %or3A_171 = arith.constant false
        %or3A_172 = arith.ori %or3A_170, %or3A_171 : i1
        %ge3A_173 = arith.constant 15 : i32
        %ge3A_174 = arith.cmpi sge, %scan3A_121, %ge3A_173 : i32
        %not3A_175 = arith.constant true
        %not3A_176 = arith.xori %ge3A_174, %not3A_175 : i1
        %and3A_177 = arith.andi %or3A_172, %not3A_176 : i1
        %ne3A_178 = arith.cmpi ne, %add3A_131, %add3A_140 : i32
        %or3A_179 = arith.constant false
        %or3A_180 = arith.ori %or3A_179, %ne3A_178 : i1
        %or3A_181 = arith.ori %or3A_180, %eq3A_128 : i1
        %convert_element_type3A_182 = arith.extui %or3A_181 : i1 to i32
        %cond3A_183 = arith.constant 0 : i32
        %cond3A_184 = arith.cmpi ne, %convert_element_type3A_182, %cond3A_183 : i32
        scf.if %cond3A_184 {
          "tpu.trace_start"() <{level = 10 : i32, message = "ep_wait_in"}> : () -> ()
          %mul3A_264 = arith.constant 256 : i32
          %mul3A_265 = arith.muli %mul3A_264, %add3A_131 : i32
          %rem3A_266 = arith.constant 2 : i32
          %rem3A_267 = arith.remui %scan3A_123, %rem3A_266 : i32
          %dma_wait3A_268 = arith.constant 0 : i32
          %dma_wait3A_269 = arith.constant 0 : i32
          %dma_wait3A_270 = tpu.memref_slice %run_scoped3A[%rem3A_267, %dma_wait3A_268, %dma_wait3A_269] : memref<2x1x256xi32, #tpu.memory_space<vmem>> -> memref<1x1x256xi32, #tpu.memory_space<vmem>>
          %dma_wait3A_271 = tpu.memref_squeeze %dma_wait3A_270 : memref<1x1x256xi32, #tpu.memory_space<vmem>> -> memref<1x256xi32, #tpu.memory_space<vmem>>
          %dma_wait3A_272 = arith.constant 0 : i32
          %dma_wait3A_273 = tpu.memref_slice %arg3[%dma_wait3A_272, %mul3A_265] : memref<1x131072xi32, #tpu.memory_space<hbm>> -> memref<1x256xi32, #tpu.memory_space<hbm>>
          %dma_wait3A_274 = tpu.memref_slice %run_scoped3A_7[%rem3A_267] : memref<2x!tpu.dma_semaphore, #tpu.memory_space<semaphore_mem>> -> memref<1x!tpu.dma_semaphore, #tpu.memory_space<semaphore_mem>>
          %dma_wait3A_275 = tpu.memref_squeeze %dma_wait3A_274 : memref<1x!tpu.dma_semaphore, #tpu.memory_space<semaphore_mem>> -> memref<!tpu.dma_semaphore, #tpu.memory_space<semaphore_mem>>
          %dma_wait3A_276 = arith.constant 0 : i32
          %dma_wait3A_277 = arith.constant 0 : i32
          %dma_wait3A_278 = tpu.memref_slice %run_scoped3A[%rem3A_267, %dma_wait3A_276, %dma_wait3A_277] : memref<2x1x256xi32, #tpu.memory_space<vmem>> -> memref<1x1x256xi32, #tpu.memory_space<vmem>>
          %dma_wait3A_279 = tpu.memref_squeeze %dma_wait3A_278 : memref<1x1x256xi32, #tpu.memory_space<vmem>> -> memref<1x256xi32, #tpu.memory_space<vmem>>
          %dma_wait3A_280 = arith.constant 0 : i32
          %dma_wait3A_281 = tpu.memref_slice %arg3[%dma_wait3A_280, %mul3A_265] : memref<1x131072xi32, #tpu.memory_space<hbm>> -> memref<1x256xi32, #tpu.memory_space<hbm>>
          tpu.wait_dma2 semaphore(%dma_wait3A_275 : memref<!tpu.dma_semaphore, #tpu.memory_space<semaphore_mem>>) src(%dma_wait3A_281 : memref<1x256xi32, #tpu.memory_space<hbm>>) dst(%dma_wait3A_279 : memref<1x256xi32, #tpu.memory_space<vmem>>)
          "tpu.trace_stop"() : () -> ()
        } else {
        }
        %ne3A_185 = arith.cmpi ne, %add3A_131, %add3A_140 : i32
        %or3A_186 = arith.constant false
        %or3A_187 = arith.ori %or3A_186, %ne3A_185 : i1
        %or3A_188 = arith.constant false
        %or3A_189 = arith.ori %or3A_187, %or3A_188 : i1
        %or3A_190 = arith.ori %or3A_189, %eq3A_128 : i1
        %convert_element_type3A_191 = arith.extui %or3A_190 : i1 to i32
        %cond3A_192 = arith.constant 0 : i32
        %cond3A_193 = arith.cmpi ne, %convert_element_type3A_191, %cond3A_192 : i32
        scf.if %cond3A_193 {
        } else {
        }
        %rem3A_194 = arith.constant 2 : i32
        %rem3A_195 = arith.remui %scan3A_123, %rem3A_194 : i32
        %rem3A_196 = arith.constant 2 : i32
        %rem3A_197 = arith.remui %scan3A_124, %rem3A_196 : i32
        %run_scoped3A_198 = arith.constant 0 : i32
        "tpu.trace_start"() <{level = 10 : i32, message = "ep_run_kernel"}> : () -> ()
        "tpu.region"() ({
          %run_scoped3A_264 = tpu.sem_alloc : memref<!tpu.dma_semaphore, #tpu.memory_space<semaphore_mem>>
          %dma_start3A_265 = arith.constant 0 : i32
          %dma_start3A_266 = arith.constant 0 : i32
          %dma_start3A_267 = tpu.memref_slice %run_scoped3A_8[%rem3A_197, %dma_start3A_265, %dma_start3A_266] : memref<2x256x128xf32, #tpu.memory_space<vmem>> -> memref<1x256x128xf32, #tpu.memory_space<vmem>>
          %dma_start3A_268 = tpu.memref_squeeze %dma_start3A_267 : memref<1x256x128xf32, #tpu.memory_space<vmem>> -> memref<256x128xf32, #tpu.memory_space<vmem>>
          %dma_start3A_269 = arith.constant 0 : i32
          %dma_start3A_270 = arith.constant 0 : i32
          %dma_start3A_271 = tpu.memref_slice %run_scoped3A[%rem3A_195, %dma_start3A_269, %dma_start3A_270] : memref<2x1x256xi32, #tpu.memory_space<vmem>> -> memref<1x1x256xi32, #tpu.memory_space<vmem>>
          %dma_start3A_272 = tpu.memref_squeeze %dma_start3A_271 : memref<1x1x256xi32, #tpu.memory_space<vmem>> -> memref<1x256xi32, #tpu.memory_space<vmem>>
          %dma_start3A_273 = arith.constant 0 : i32
          %dma_start3A_274 = tpu.memref_slice %dma_start3A_272[%run_scoped3A_198, %dma_start3A_273] : memref<1x256xi32, #tpu.memory_space<vmem>> -> memref<1x256xi32, #tpu.memory_space<vmem>>
          %dma_start3A_275 = tpu.memref_squeeze %dma_start3A_274 : memref<1x256xi32, #tpu.memory_space<vmem>> -> memref<256xi32, #tpu.memory_space<vmem>>
          %dma_start3A_276 = arith.constant 0 : i32
          %dma_start3A_277 = arith.constant 0 : i32
          %dma_start3A_278 = tpu.memref_slice %arg2[%dma_start3A_276, %dma_start3A_277] : memref<32768x128xf32, #tpu.memory_space<hbm>> -> memref<32768x128xf32, #tpu.memory_space<hbm>>
          tpu.enqueue_indirect_dma source(%dma_start3A_278 : memref<32768x128xf32, #tpu.memory_space<hbm>>) target(%dma_start3A_268 : memref<256x128xf32, #tpu.memory_space<vmem>>) offsets(%dma_start3A_275 : memref<256xi32, #tpu.memory_space<vmem>>) semaphore(%run_scoped3A_264 : memref<!tpu.dma_semaphore, #tpu.memory_space<semaphore_mem>>)
          %dma_wait3A_279 = arith.constant 0 : i32
          %dma_wait3A_280 = arith.constant 0 : i32
          %dma_wait3A_281 = tpu.memref_slice %run_scoped3A_8[%rem3A_197, %dma_wait3A_279, %dma_wait3A_280] : memref<2x256x128xf32, #tpu.memory_space<vmem>> -> memref<1x256x128xf32, #tpu.memory_space<vmem>>
          %dma_wait3A_282 = tpu.memref_squeeze %dma_wait3A_281 : memref<1x256x128xf32, #tpu.memory_space<vmem>> -> memref<256x128xf32, #tpu.memory_space<vmem>>
          %dma_wait3A_283 = arith.constant 0 : i32
          %dma_wait3A_284 = arith.constant 0 : i32
          %dma_wait3A_285 = tpu.memref_slice %run_scoped3A[%rem3A_195, %dma_wait3A_283, %dma_wait3A_284] : memref<2x1x256xi32, #tpu.memory_space<vmem>> -> memref<1x1x256xi32, #tpu.memory_space<vmem>>
          %dma_wait3A_286 = tpu.memref_squeeze %dma_wait3A_285 : memref<1x1x256xi32, #tpu.memory_space<vmem>> -> memref<1x256xi32, #tpu.memory_space<vmem>>
          %dma_wait3A_287 = arith.constant 0 : i32
          %dma_wait3A_288 = tpu.memref_slice %dma_wait3A_286[%run_scoped3A_198, %dma_wait3A_287] : memref<1x256xi32, #tpu.memory_space<vmem>> -> memref<1x256xi32, #tpu.memory_space<vmem>>
          %dma_wait3A_289 = tpu.memref_squeeze %dma_wait3A_288 : memref<1x256xi32, #tpu.memory_space<vmem>> -> memref<256xi32, #tpu.memory_space<vmem>>
          %dma_wait3A_290 = arith.constant 0 : i32
          %dma_wait3A_291 = arith.constant 0 : i32
          %dma_wait3A_292 = tpu.memref_slice %arg2[%dma_wait3A_290, %dma_wait3A_291] : memref<32768x128xf32, #tpu.memory_space<hbm>> -> memref<32768x128xf32, #tpu.memory_space<hbm>>
          tpu.wait_indirect_dma semaphore(%run_scoped3A_264 : memref<!tpu.dma_semaphore, #tpu.memory_space<semaphore_mem>>) src(%dma_wait3A_292 : memref<32768x128xf32, #tpu.memory_space<hbm>>) dst(%dma_wait3A_282 : memref<256x128xf32, #tpu.memory_space<vmem>>)
          tpu.yield
        }) : () -> ()
        "tpu.trace_stop"() : () -> ()
        %ne3A_199 = arith.cmpi ne, %add3A_131, %add3A_149 : i32
        %or3A_200 = arith.constant false
        %or3A_201 = arith.ori %or3A_200, %ne3A_199 : i1
        %or3A_202 = arith.ori %or3A_201, %eq3A_130 : i1
        %convert_element_type3A_203 = arith.extui %or3A_202 : i1 to i32
        %cond3A_204 = arith.constant 0 : i32
        %cond3A_205 = arith.cmpi ne, %convert_element_type3A_203, %cond3A_204 : i32
        scf.if %cond3A_205 {
        } else {
        }
        %and3A_206 = arith.constant false
        %and3A_207 = arith.andi %or3A_202, %and3A_206 : i1
        %ne3A_208 = arith.cmpi ne, %add3A_131, %add3A_149 : i32
        %or3A_209 = arith.constant false
        %or3A_210 = arith.ori %or3A_209, %ne3A_208 : i1
        %or3A_211 = arith.constant false
        %or3A_212 = arith.ori %or3A_210, %or3A_211 : i1
        %or3A_213 = arith.ori %or3A_212, %eq3A_130 : i1
        %convert_element_type3A_214 = arith.extui %or3A_213 : i1 to i32
        %cond3A_215 = arith.constant 0 : i32
        %cond3A_216 = arith.cmpi ne, %convert_element_type3A_214, %cond3A_215 : i32
        scf.if %cond3A_216 {
          "tpu.trace_start"() <{level = 10 : i32, message = "ep_copy_out"}> : () -> ()
          %rem3A_264 = arith.constant 2 : i32
          %rem3A_265 = arith.remui %scan3A_124, %rem3A_264 : i32
          %mul3A_266 = arith.constant 256 : i32
          %mul3A_267 = arith.muli %mul3A_266, %add3A_131 : i32
          %dma_start3A_268 = arith.constant 0 : i32
          %dma_start3A_269 = arith.constant 0 : i32
          %dma_start3A_270 = tpu.memref_slice %run_scoped3A_8[%rem3A_265, %dma_start3A_268, %dma_start3A_269] : memref<2x256x128xf32, #tpu.memory_space<vmem>> -> memref<1x256x128xf32, #tpu.memory_space<vmem>>
          %dma_start3A_271 = tpu.memref_squeeze %dma_start3A_270 : memref<1x256x128xf32, #tpu.memory_space<vmem>> -> memref<256x128xf32, #tpu.memory_space<vmem>>
          %dma_start3A_272 = arith.constant 0 : i32
          %dma_start3A_273 = tpu.memref_slice %arg4[%mul3A_267, %dma_start3A_272] : memref<131072x128xf32, #tpu.memory_space<hbm>> -> memref<256x128xf32, #tpu.memory_space<hbm>>
          %dma_start3A_274 = tpu.memref_slice %run_scoped3A_9[%rem3A_265] : memref<2x!tpu.dma_semaphore, #tpu.memory_space<semaphore_mem>> -> memref<1x!tpu.dma_semaphore, #tpu.memory_space<semaphore_mem>>
          %dma_start3A_275 = tpu.memref_squeeze %dma_start3A_274 : memref<1x!tpu.dma_semaphore, #tpu.memory_space<semaphore_mem>> -> memref<!tpu.dma_semaphore, #tpu.memory_space<semaphore_mem>>
          %dma_start3A_276 = arith.constant 0 : i32
          %dma_start3A_277 = tpu.memref_slice %arg4[%mul3A_267, %dma_start3A_276] : memref<131072x128xf32, #tpu.memory_space<hbm>> -> memref<256x128xf32, #tpu.memory_space<hbm>>
          %dma_start3A_278 = arith.constant 0 : i32
          %dma_start3A_279 = arith.constant 0 : i32
          %dma_start3A_280 = tpu.memref_slice %run_scoped3A_8[%rem3A_265, %dma_start3A_278, %dma_start3A_279] : memref<2x256x128xf32, #tpu.memory_space<vmem>> -> memref<1x256x128xf32, #tpu.memory_space<vmem>>
          %dma_start3A_281 = tpu.memref_squeeze %dma_start3A_280 : memref<1x256x128xf32, #tpu.memory_space<vmem>> -> memref<256x128xf32, #tpu.memory_space<vmem>>
          tpu.enqueue_dma source(%dma_start3A_281 : memref<256x128xf32, #tpu.memory_space<vmem>>) target(%dma_start3A_277 : memref<256x128xf32, #tpu.memory_space<hbm>>) target_semaphore(%dma_start3A_275 : memref<!tpu.dma_semaphore, #tpu.memory_space<semaphore_mem>>)
          "tpu.trace_stop"() : () -> ()
        } else {
        }
        %and3A_217 = arith.constant true
        %and3A_218 = arith.andi %or3A_213, %and3A_217 : i1
        %add3A_219 = arith.constant 1 : i32
        %add3A_220 = arith.addi %scan3A_124, %add3A_219 : i32
        %select_n3A_221 = arith.select %and3A_218, %add3A_220, %scan3A_124 : i32
        %ne3A_222 = arith.cmpi ne, %add3A_131, %add3A_140 : i32
        %or3A_223 = arith.constant false
        %or3A_224 = arith.ori %or3A_223, %ne3A_222 : i1
        %not3A_225 = arith.constant true
        %not3A_226 = arith.xori %eq3A_128, %not3A_225 : i1
        %and3A_227 = arith.andi %or3A_224, %not3A_226 : i1
        %convert_element_type3A_228 = arith.extui %and3A_227 : i1 to i32
        %cond3A_229 = arith.constant 0 : i32
        %cond3A_230 = arith.cmpi ne, %convert_element_type3A_228, %cond3A_229 : i32
        scf.if %cond3A_230 {
        } else {
        }
        %and3A_231 = arith.constant false
        %and3A_232 = arith.andi %and3A_227, %and3A_231 : i1
        %ne3A_233 = arith.cmpi ne, %add3A_131, %add3A_140 : i32
        %or3A_234 = arith.constant false
        %or3A_235 = arith.ori %or3A_234, %ne3A_233 : i1
        %or3A_236 = arith.constant false
        %or3A_237 = arith.ori %or3A_235, %or3A_236 : i1
        %not3A_238 = arith.constant true
        %not3A_239 = arith.xori %eq3A_128, %not3A_238 : i1
        %and3A_240 = arith.andi %or3A_237, %not3A_239 : i1
        %convert_element_type3A_241 = arith.extui %and3A_240 : i1 to i32
        %cond3A_242 = arith.constant 0 : i32
        %cond3A_243 = arith.cmpi ne, %convert_element_type3A_241, %cond3A_242 : i32
        scf.if %cond3A_243 {
          "tpu.trace_start"() <{level = 10 : i32, message = "ep_wait_out"}> : () -> ()
          %rem3A_264 = arith.constant 2 : i32
          %rem3A_265 = arith.remui %scan3A_125, %rem3A_264 : i32
          %mul3A_266 = arith.constant 256 : i32
          %mul3A_267 = arith.muli %mul3A_266, %add3A_140 : i32
          %dma_wait3A_268 = arith.constant 0 : i32
          %dma_wait3A_269 = arith.constant 0 : i32
          %dma_wait3A_270 = tpu.memref_slice %run_scoped3A_8[%rem3A_265, %dma_wait3A_268, %dma_wait3A_269] : memref<2x256x128xf32, #tpu.memory_space<vmem>> -> memref<1x256x128xf32, #tpu.memory_space<vmem>>
          %dma_wait3A_271 = tpu.memref_squeeze %dma_wait3A_270 : memref<1x256x128xf32, #tpu.memory_space<vmem>> -> memref<256x128xf32, #tpu.memory_space<vmem>>
          %dma_wait3A_272 = arith.constant 0 : i32
          %dma_wait3A_273 = tpu.memref_slice %arg4[%mul3A_267, %dma_wait3A_272] : memref<131072x128xf32, #tpu.memory_space<hbm>> -> memref<256x128xf32, #tpu.memory_space<hbm>>
          %dma_wait3A_274 = tpu.memref_slice %run_scoped3A_9[%rem3A_265] : memref<2x!tpu.dma_semaphore, #tpu.memory_space<semaphore_mem>> -> memref<1x!tpu.dma_semaphore, #tpu.memory_space<semaphore_mem>>
          %dma_wait3A_275 = tpu.memref_squeeze %dma_wait3A_274 : memref<1x!tpu.dma_semaphore, #tpu.memory_space<semaphore_mem>> -> memref<!tpu.dma_semaphore, #tpu.memory_space<semaphore_mem>>
          %dma_wait3A_276 = arith.constant 0 : i32
          %dma_wait3A_277 = tpu.memref_slice %arg4[%mul3A_267, %dma_wait3A_276] : memref<131072x128xf32, #tpu.memory_space<hbm>> -> memref<256x128xf32, #tpu.memory_space<hbm>>
          %dma_wait3A_278 = arith.constant 0 : i32
          %dma_wait3A_279 = arith.constant 0 : i32
          %dma_wait3A_280 = tpu.memref_slice %run_scoped3A_8[%rem3A_265, %dma_wait3A_278, %dma_wait3A_279] : memref<2x256x128xf32, #tpu.memory_space<vmem>> -> memref<1x256x128xf32, #tpu.memory_space<vmem>>
          %dma_wait3A_281 = tpu.memref_squeeze %dma_wait3A_280 : memref<1x256x128xf32, #tpu.memory_space<vmem>> -> memref<256x128xf32, #tpu.memory_space<vmem>>
          tpu.wait_dma2 semaphore(%dma_wait3A_275 : memref<!tpu.dma_semaphore, #tpu.memory_space<semaphore_mem>>) src(%dma_wait3A_281 : memref<256x128xf32, #tpu.memory_space<vmem>>) dst(%dma_wait3A_277 : memref<256x128xf32, #tpu.memory_space<hbm>>)
          "tpu.trace_stop"() : () -> ()
        } else {
        }
        %and3A_244 = arith.constant true
        %and3A_245 = arith.andi %and3A_240, %and3A_244 : i1
        %add3A_246 = arith.constant 1 : i32
        %add3A_247 = arith.addi %scan3A_125, %add3A_246 : i32
        %select_n3A_248 = arith.select %and3A_245, %add3A_247, %scan3A_125 : i32
        %ne3A_249 = arith.cmpi ne, %add3A_131, %add3A_149 : i32
        %or3A_250 = arith.constant false
        %or3A_251 = arith.ori %or3A_250, %ne3A_249 : i1
        %or3A_252 = arith.ori %or3A_251, %eq3A_130 : i1
        %add3A_253 = arith.constant 1 : i32
        %add3A_254 = arith.addi %scan3A_123, %add3A_253 : i32
        %select_n3A_255 = arith.select %or3A_252, %add3A_254, %scan3A_123 : i32
        %add3A_256 = arith.constant 1 : i32
        %add3A_257 = arith.addi %scan3A_126, %add3A_256 : i32
        %select_n3A_258 = arith.constant true
        %select_n3A_259 = arith.select %select_n3A_258, %add3A_257, %scan3A_126 : i32
        %eq3A_260 = arith.constant 16 : i32
        %eq3A_261 = arith.cmpi eq, %select_n3A_259, %eq3A_260 : i32
        %select_n3A_262 = arith.constant 0 : i32
        %select_n3A_263 = arith.select %eq3A_261, %select_n3A_262, %select_n3A_259 : i32
        scf.yield %select_n3A_167, %select_n3A_255, %select_n3A_221, %select_n3A_248, %select_n3A_263 : i32, i32, i32, i32, i32
      }
      %scan3A_68 = arith.constant 16 : i32
      %sub3A = arith.constant 1 : i32
      %sub3A_69 = arith.subi %scan3A_67#4, %sub3A : i32
      %select_n3A_70 = arith.constant true
      %select_n3A_71 = arith.select %select_n3A_70, %sub3A_69, %scan3A_67#4 : i32
      %eq3A_72 = arith.constant -1 : i32
      %eq3A_73 = arith.cmpi eq, %select_n3A_71, %eq3A_72 : i32
      %select_n3A_74 = arith.constant 15 : i32
      %select_n3A_75 = arith.select %eq3A_73, %select_n3A_74, %select_n3A_71 : i32
      %add3A_76 = arith.addi %select_n3A_75, %mul3A_6 : i32
      %sub3A_77 = arith.constant 1 : i32
      %sub3A_78 = arith.subi %select_n3A_75, %sub3A_77 : i32
      %select_n3A_79 = arith.constant true
      %select_n3A_80 = arith.select %select_n3A_79, %sub3A_78, %select_n3A_75 : i32
      %eq3A_81 = arith.constant -1 : i32
      %eq3A_82 = arith.cmpi eq, %select_n3A_80, %eq3A_81 : i32
      %select_n3A_83 = arith.constant 15 : i32
      %select_n3A_84 = arith.select %eq3A_82, %select_n3A_83, %select_n3A_80 : i32
      %add3A_85 = arith.addi %select_n3A_84, %mul3A_6 : i32
      %add3A_86 = arith.constant 1 : i32
      %add3A_87 = arith.addi %select_n3A_75, %add3A_86 : i32
      %select_n3A_88 = arith.constant true
      %select_n3A_89 = arith.select %select_n3A_88, %add3A_87, %select_n3A_75 : i32
      %eq3A_90 = arith.constant 16 : i32
      %eq3A_91 = arith.cmpi eq, %select_n3A_89, %eq3A_90 : i32
      %select_n3A_92 = arith.constant 0 : i32
      %select_n3A_93 = arith.select %eq3A_91, %select_n3A_92, %select_n3A_89 : i32
      %add3A_94 = arith.addi %select_n3A_93, %mul3A_6 : i32
      %add3A_95 = arith.constant 1 : i32
      %add3A_96 = arith.addi %select_n3A_93, %add3A_95 : i32
      %select_n3A_97 = arith.constant true
      %select_n3A_98 = arith.select %select_n3A_97, %add3A_96, %select_n3A_93 : i32
      %eq3A_99 = arith.constant 16 : i32
      %eq3A_100 = arith.cmpi eq, %select_n3A_98, %eq3A_99 : i32
      %select_n3A_101 = arith.constant 0 : i32
      %select_n3A_102 = arith.select %eq3A_100, %select_n3A_101, %select_n3A_98 : i32
      %add3A_103 = arith.addi %select_n3A_102, %mul3A_6 : i32
      "tpu.trace_start"() <{level = 10 : i32, message = "ep_finalize"}> : () -> ()
      %rem3A_104 = arith.constant 2 : i32
      %rem3A_105 = arith.remui %scan3A_67#3, %rem3A_104 : i32
      %mul3A_106 = arith.constant 256 : i32
      %mul3A_107 = arith.muli %mul3A_106, %add3A_76 : i32
      %dma_wait3A = arith.constant 0 : i32
      %dma_wait3A_108 = arith.constant 0 : i32
      %dma_wait3A_109 = tpu.memref_slice %run_scoped3A_8[%rem3A_105, %dma_wait3A, %dma_wait3A_108] : memref<2x256x128xf32, #tpu.memory_space<vmem>> -> memref<1x256x128xf32, #tpu.memory_space<vmem>>
      %dma_wait3A_110 = tpu.memref_squeeze %dma_wait3A_109 : memref<1x256x128xf32, #tpu.memory_space<vmem>> -> memref<256x128xf32, #tpu.memory_space<vmem>>
      %dma_wait3A_111 = arith.constant 0 : i32
      %dma_wait3A_112 = tpu.memref_slice %arg4[%mul3A_107, %dma_wait3A_111] : memref<131072x128xf32, #tpu.memory_space<hbm>> -> memref<256x128xf32, #tpu.memory_space<hbm>>
      %dma_wait3A_113 = tpu.memref_slice %run_scoped3A_9[%rem3A_105] : memref<2x!tpu.dma_semaphore, #tpu.memory_space<semaphore_mem>> -> memref<1x!tpu.dma_semaphore, #tpu.memory_space<semaphore_mem>>
      %dma_wait3A_114 = tpu.memref_squeeze %dma_wait3A_113 : memref<1x!tpu.dma_semaphore, #tpu.memory_space<semaphore_mem>> -> memref<!tpu.dma_semaphore, #tpu.memory_space<semaphore_mem>>
      %dma_wait3A_115 = arith.constant 0 : i32
      %dma_wait3A_116 = tpu.memref_slice %arg4[%mul3A_107, %dma_wait3A_115] : memref<131072x128xf32, #tpu.memory_space<hbm>> -> memref<256x128xf32, #tpu.memory_space<hbm>>
      %dma_wait3A_117 = arith.constant 0 : i32
      %dma_wait3A_118 = arith.constant 0 : i32
      %dma_wait3A_119 = tpu.memref_slice %run_scoped3A_8[%rem3A_105, %dma_wait3A_117, %dma_wait3A_118] : memref<2x256x128xf32, #tpu.memory_space<vmem>> -> memref<1x256x128xf32, #tpu.memory_space<vmem>>
      %dma_wait3A_120 = tpu.memref_squeeze %dma_wait3A_119 : memref<1x256x128xf32, #tpu.memory_space<vmem>> -> memref<256x128xf32, #tpu.memory_space<vmem>>
      tpu.wait_dma2 semaphore(%dma_wait3A_114 : memref<!tpu.dma_semaphore, #tpu.memory_space<semaphore_mem>>) src(%dma_wait3A_120 : memref<256x128xf32, #tpu.memory_space<vmem>>) dst(%dma_wait3A_116 : memref<256x128xf32, #tpu.memory_space<hbm>>)
      "tpu.trace_stop"() : () -> ()
      tpu.yield
    }) : () -> ()
    return
  }
}

module attributes {stable_mosaic.version = 14 : i64} {
  func.func @_fps_kernel(%arg0: i32, %arg1: memref<4x24576xf32, #tpu.memory_space<any>>, %arg2: memref<4x1x8x1024xf32, #tpu.memory_space<vmem>>, %arg3: memref<4x1x8x1024xf32, #tpu.memory_space<vmem>>, %arg4: memref<4x1x8x1024xf32, #tpu.memory_space<vmem>>, %arg5: memref<4x1x512xi32, #tpu.memory_space<smem>>, %arg6: memref<4x1x1536xf32, #tpu.memory_space<smem>>, %arg7: memref<4x24576xf32, #tpu.memory_space<smem>>, %arg8: memref<!tpu.dma_semaphore, #tpu.memory_space<semaphore_mem>>, %arg9: memref<8x1024xf32, #tpu.memory_space<vmem>>, %arg10: memref<8x1024xf32, #tpu.memory_space<vmem>>, %arg11: memref<8x1024xf32, #tpu.memory_space<vmem>>, %arg12: memref<8x1024xf32, #tpu.memory_space<vmem>>) attributes {dimension_semantics = [#tpu.dimension_semantics<arbitrary>], iteration_bounds = array<i64: 1>, scalar_prefetch = 0 : i64, scratch_operands = 6 : i64, tpu.core_type = #tpu.core_type<tc>, window_params = [{}, {transform_indices = @transform_1, window_bounds = array<i64: 4, 1, 8, 1024>}, {transform_indices = @transform_2, window_bounds = array<i64: 4, 1, 8, 1024>}, {transform_indices = @transform_3, window_bounds = array<i64: 4, 1, 8, 1024>}, {transform_indices = @transform_4, window_bounds = array<i64: 4, 1, 512>}, {transform_indices = @transform_5, window_bounds = array<i64: 4, 1, 1536>}]} {
    tpu.enqueue_dma source(%arg1 : memref<4x24576xf32, #tpu.memory_space<any>>) target(%arg7 : memref<4x24576xf32, #tpu.memory_space<smem>>) target_semaphore(%arg8 : memref<!tpu.dma_semaphore, #tpu.memory_space<semaphore_mem>>)
    tpu.wait_dma2 semaphore(%arg8 : memref<!tpu.dma_semaphore, #tpu.memory_space<semaphore_mem>>) src(%arg1 : memref<4x24576xf32, #tpu.memory_space<any>>) dst(%arg7 : memref<4x24576xf32, #tpu.memory_space<smem>>)
    %broadcast_in_dim3A = arith.constant 1.000000e+10 : f32
    %broadcast_in_dim3A_0 = vector.broadcast %broadcast_in_dim3A : f32 to vector<8x1024xf32>
    %swap3A = arith.constant 0 : index
    %swap3A_1 = arith.constant 0 : index
    %swap3A_2 = vector.load %arg9[%swap3A, %swap3A_1] : memref<8x1024xf32, #tpu.memory_space<vmem>>, vector<8x1024xf32>
    tpu.vector_store %arg9[%swap3A, %swap3A_1], %broadcast_in_dim3A_0 {strides = array<i32>} : memref<8x1024xf32, #tpu.memory_space<vmem>>, vector<8x1024xf32>,
    %broadcast_in_dim3A_3 = arith.constant 1.000000e+10 : f32
    %broadcast_in_dim3A_4 = vector.broadcast %broadcast_in_dim3A_3 : f32 to vector<8x1024xf32>
    %swap3A_5 = arith.constant 0 : index
    %swap3A_6 = arith.constant 0 : index
    %swap3A_7 = vector.load %arg10[%swap3A_5, %swap3A_6] : memref<8x1024xf32, #tpu.memory_space<vmem>>, vector<8x1024xf32>
    tpu.vector_store %arg10[%swap3A_5, %swap3A_6], %broadcast_in_dim3A_4 {strides = array<i32>} : memref<8x1024xf32, #tpu.memory_space<vmem>>, vector<8x1024xf32>,
    %broadcast_in_dim3A_8 = arith.constant 1.000000e+10 : f32
    %broadcast_in_dim3A_9 = vector.broadcast %broadcast_in_dim3A_8 : f32 to vector<8x1024xf32>
    %swap3A_10 = arith.constant 0 : index
    %swap3A_11 = arith.constant 0 : index
    %swap3A_12 = vector.load %arg11[%swap3A_10, %swap3A_11] : memref<8x1024xf32, #tpu.memory_space<vmem>>, vector<8x1024xf32>
    tpu.vector_store %arg11[%swap3A_10, %swap3A_11], %broadcast_in_dim3A_9 {strides = array<i32>} : memref<8x1024xf32, #tpu.memory_space<vmem>>, vector<8x1024xf32>,
    %broadcast_in_dim3A_13 = arith.constant 1.000000e+10 : f32
    %broadcast_in_dim3A_14 = vector.broadcast %broadcast_in_dim3A_13 : f32 to vector<8x1024xf32>
    %swap3A_15 = arith.constant 0 : index
    %swap3A_16 = arith.constant 0 : index
    %swap3A_17 = vector.load %arg12[%swap3A_15, %swap3A_16] : memref<8x1024xf32, #tpu.memory_space<vmem>>, vector<8x1024xf32>
    tpu.vector_store %arg12[%swap3A_15, %swap3A_16], %broadcast_in_dim3A_14 {strides = array<i32>} : memref<8x1024xf32, #tpu.memory_space<vmem>>, vector<8x1024xf32>,
    %iota3A = tpu.iota {dimensions = array<i32: 0>} : vector<8x1024xi32>
    %mul3A = arith.constant 1024 : i32
    %mul3A_18 = vector.broadcast %mul3A : i32 to vector<8x1024xi32>
    %mul3A_19 = arith.muli %iota3A, %mul3A_18 : vector<8x1024xi32>
    %iota3A_20 = tpu.iota {dimensions = array<i32: 1>} : vector<8x1024xi32>
    %add3A = arith.addi %mul3A_19, %iota3A_20 : vector<8x1024xi32>
    %scan3A = arith.constant 0 : i32
    %scan3A_21 = arith.constant 0 : i32
    %scan3A_22 = arith.constant 0 : i32
    %scan3A_23 = arith.constant 0 : i32
    %scan3A_24 = arith.constant 0 : i32
    %scan3A_25 = arith.constant 0 : i32
    %scan3A_26 = arith.constant 0 : i32
    %scan3A_27 = arith.constant 0 : i32
    %scan3A_28 = arith.constant 512 : i32
    %scan3A_29 = arith.addi %scan3A_27, %scan3A_28 : i32
    %scan3A_30 = arith.constant 1 : i32
    %scan3A_31:4 = scf.for %scan3A_33 = %scan3A_27 to %scan3A_29 step %scan3A_30 iter_args(%scan3A_34 = %scan3A_23, %scan3A_35 = %scan3A_24, %scan3A_36 = %scan3A_25, %scan3A_37 = %scan3A_26) -> (i32, i32, i32, i32)  : i32 {
      %mul3A_38 = arith.constant 3 : i32
      %mul3A_39 = arith.muli %mul3A_38, %scan3A_34 : i32
      %get3A = arith.constant 0 : index
      %get3A_40 = arith.index_cast %mul3A_39 : i32 to index
      %get3A_41 = memref.load %arg7[%get3A, %get3A_40] : memref<4x24576xf32, #tpu.memory_space<smem>>
      %mul3A_42 = arith.constant 3 : i32
      %mul3A_43 = arith.muli %mul3A_42, %scan3A_34 : i32
      %add3A_44 = arith.constant 1 : i32
      %add3A_45 = arith.addi %mul3A_43, %add3A_44 : i32
      %get3A_46 = arith.constant 0 : index
      %get3A_47 = arith.index_cast %add3A_45 : i32 to index
      %get3A_48 = memref.load %arg7[%get3A_46, %get3A_47] : memref<4x24576xf32, #tpu.memory_space<smem>>
      %mul3A_49 = arith.constant 3 : i32
      %mul3A_50 = arith.muli %mul3A_49, %scan3A_34 : i32
      %add3A_51 = arith.constant 2 : i32
      %add3A_52 = arith.addi %mul3A_50, %add3A_51 : i32
      %get3A_53 = arith.constant 0 : index
      %get3A_54 = arith.index_cast %add3A_52 : i32 to index
      %get3A_55 = memref.load %arg7[%get3A_53, %get3A_54] : memref<4x24576xf32, #tpu.memory_space<smem>>
      %swap3A_56 = arith.constant 0 : index
      %swap3A_57 = arith.constant 0 : index
      %swap3A_58 = arith.index_cast %scan3A_33 : i32 to index
      %swap3A_59 = memref.load %arg5[%swap3A_56, %swap3A_57, %swap3A_58] : memref<4x1x512xi32, #tpu.memory_space<smem>>
      memref.store %scan3A_34, %arg5[%swap3A_56, %swap3A_57, %swap3A_58] : memref<4x1x512xi32, #tpu.memory_space<smem>>
      %mul3A_60 = arith.constant 3 : i32
      %mul3A_61 = arith.muli %mul3A_60, %scan3A_33 : i32
      %swap3A_62 = arith.constant 0 : index
      %swap3A_63 = arith.constant 0 : index
      %swap3A_64 = arith.index_cast %mul3A_61 : i32 to index
      %swap3A_65 = memref.load %arg6[%swap3A_62, %swap3A_63, %swap3A_64] : memref<4x1x1536xf32, #tpu.memory_space<smem>>
      memref.store %get3A_41, %arg6[%swap3A_62, %swap3A_63, %swap3A_64] : memref<4x1x1536xf32, #tpu.memory_space<smem>>
      %mul3A_66 = arith.constant 3 : i32
      %mul3A_67 = arith.muli %mul3A_66, %scan3A_33 : i32
      %add3A_68 = arith.constant 1 : i32
      %add3A_69 = arith.addi %mul3A_67, %add3A_68 : i32
      %swap3A_70 = arith.constant 0 : index
      %swap3A_71 = arith.constant 0 : index
      %swap3A_72 = arith.index_cast %add3A_69 : i32 to index
      %swap3A_73 = memref.load %arg6[%swap3A_70, %swap3A_71, %swap3A_72] : memref<4x1x1536xf32, #tpu.memory_space<smem>>
      memref.store %get3A_48, %arg6[%swap3A_70, %swap3A_71, %swap3A_72] : memref<4x1x1536xf32, #tpu.memory_space<smem>>
      %mul3A_74 = arith.constant 3 : i32
      %mul3A_75 = arith.muli %mul3A_74, %scan3A_33 : i32
      %add3A_76 = arith.constant 2 : i32
      %add3A_77 = arith.addi %mul3A_75, %add3A_76 : i32
      %swap3A_78 = arith.constant 0 : index
      %swap3A_79 = arith.constant 0 : index
      %swap3A_80 = arith.index_cast %add3A_77 : i32 to index
      %swap3A_81 = memref.load %arg6[%swap3A_78, %swap3A_79, %swap3A_80] : memref<4x1x1536xf32, #tpu.memory_space<smem>>
      memref.store %get3A_55, %arg6[%swap3A_78, %swap3A_79, %swap3A_80] : memref<4x1x1536xf32, #tpu.memory_space<smem>>
      %get3A_82 = arith.constant 0 : i32
      %get3A_83 = arith.constant 0 : i32
      %get3A_84 = arith.constant 0 : i32
      %get3A_85 = tpu.memref_slice %arg2[%get3A_82, %scan3A, %get3A_83, %get3A_84] : memref<4x1x8x1024xf32, #tpu.memory_space<vmem>> -> memref<4x1x8x1024xf32, #tpu.memory_space<vmem>>
      %get3A_86 = tpu.memref_squeeze %get3A_85 : memref<4x1x8x1024xf32, #tpu.memory_space<vmem>> -> memref<4x8x1024xf32, #tpu.memory_space<vmem>>
      %get3A_87 = arith.constant 0 : index
      %get3A_88 = arith.constant 0 : index
      %get3A_89 = arith.constant 0 : index
      %get3A_90 = vector.load %get3A_86[%get3A_87, %get3A_88, %get3A_89] : memref<4x8x1024xf32, #tpu.memory_space<vmem>>, vector<1x8x1024xf32>
      %get3A_91 = vector.shape_cast %get3A_90 : vector<1x8x1024xf32> to vector<8x1024xf32>
      %sub3A = vector.broadcast %get3A_41 : f32 to vector<8x1024xf32>
      %sub3A_92 = arith.subf %get3A_91, %sub3A : vector<8x1024xf32>
      %get3A_93 = arith.constant 0 : i32
      %get3A_94 = arith.constant 0 : i32
      %get3A_95 = arith.constant 0 : i32
      %get3A_96 = tpu.memref_slice %arg3[%get3A_93, %scan3A_21, %get3A_94, %get3A_95] : memref<4x1x8x1024xf32, #tpu.memory_space<vmem>> -> memref<4x1x8x1024xf32, #tpu.memory_space<vmem>>
      %get3A_97 = tpu.memref_squeeze %get3A_96 : memref<4x1x8x1024xf32, #tpu.memory_space<vmem>> -> memref<4x8x1024xf32, #tpu.memory_space<vmem>>
      %get3A_98 = arith.constant 0 : index
      %get3A_99 = arith.constant 0 : index
      %get3A_100 = arith.constant 0 : index
      %get3A_101 = vector.load %get3A_97[%get3A_98, %get3A_99, %get3A_100] : memref<4x8x1024xf32, #tpu.memory_space<vmem>>, vector<1x8x1024xf32>
      %get3A_102 = vector.shape_cast %get3A_101 : vector<1x8x1024xf32> to vector<8x1024xf32>
      %sub3A_103 = vector.broadcast %get3A_48 : f32 to vector<8x1024xf32>
      %sub3A_104 = arith.subf %get3A_102, %sub3A_103 : vector<8x1024xf32>
      %get3A_105 = arith.constant 0 : i32
      %get3A_106 = arith.constant 0 : i32
      %get3A_107 = arith.constant 0 : i32
      %get3A_108 = tpu.memref_slice %arg4[%get3A_105, %scan3A_22, %get3A_106, %get3A_107] : memref<4x1x8x1024xf32, #tpu.memory_space<vmem>> -> memref<4x1x8x1024xf32, #tpu.memory_space<vmem>>
      %get3A_109 = tpu.memref_squeeze %get3A_108 : memref<4x1x8x1024xf32, #tpu.memory_space<vmem>> -> memref<4x8x1024xf32, #tpu.memory_space<vmem>>
      %get3A_110 = arith.constant 0 : index
      %get3A_111 = arith.constant 0 : index
      %get3A_112 = arith.constant 0 : index
      %get3A_113 = vector.load %get3A_109[%get3A_110, %get3A_111, %get3A_112] : memref<4x8x1024xf32, #tpu.memory_space<vmem>>, vector<1x8x1024xf32>
      %get3A_114 = vector.shape_cast %get3A_113 : vector<1x8x1024xf32> to vector<8x1024xf32>
      %sub3A_115 = vector.broadcast %get3A_55 : f32 to vector<8x1024xf32>
      %sub3A_116 = arith.subf %get3A_114, %sub3A_115 : vector<8x1024xf32>
      %mul3A_117 = arith.mulf %sub3A_92, %sub3A_92 : vector<8x1024xf32>
      %mul3A_118 = arith.mulf %sub3A_104, %sub3A_104 : vector<8x1024xf32>
      %add3A_119 = arith.addf %mul3A_117, %mul3A_118 : vector<8x1024xf32>
      %mul3A_120 = arith.mulf %sub3A_116, %sub3A_116 : vector<8x1024xf32>
      %add3A_121 = arith.addf %add3A_119, %mul3A_120 : vector<8x1024xf32>
      %get3A_122 = arith.constant 0 : index
      %get3A_123 = arith.constant 0 : index
      %get3A_124 = vector.load %arg9[%get3A_122, %get3A_123] : memref<8x1024xf32, #tpu.memory_space<vmem>>, vector<8x1024xf32>
      %min3A = arith.minimumf %get3A_124, %add3A_121 : vector<8x1024xf32>
      %mul3A_125 = arith.constant 3 : i32
      %mul3A_126 = arith.muli %mul3A_125, %scan3A_35 : i32
      %get3A_127 = arith.constant 1 : index
      %get3A_128 = arith.index_cast %mul3A_126 : i32 to index
      %get3A_129 = memref.load %arg7[%get3A_127, %get3A_128] : memref<4x24576xf32, #tpu.memory_space<smem>>
      %mul3A_130 = arith.constant 3 : i32
      %mul3A_131 = arith.muli %mul3A_130, %scan3A_35 : i32
      %add3A_132 = arith.constant 1 : i32
      %add3A_133 = arith.addi %mul3A_131, %add3A_132 : i32
      %get3A_134 = arith.constant 1 : index
      %get3A_135 = arith.index_cast %add3A_133 : i32 to index
      %get3A_136 = memref.load %arg7[%get3A_134, %get3A_135] : memref<4x24576xf32, #tpu.memory_space<smem>>
      %mul3A_137 = arith.constant 3 : i32
      %mul3A_138 = arith.muli %mul3A_137, %scan3A_35 : i32
      %add3A_139 = arith.constant 2 : i32
      %add3A_140 = arith.addi %mul3A_138, %add3A_139 : i32
      %get3A_141 = arith.constant 1 : index
      %get3A_142 = arith.index_cast %add3A_140 : i32 to index
      %get3A_143 = memref.load %arg7[%get3A_141, %get3A_142] : memref<4x24576xf32, #tpu.memory_space<smem>>
      %swap3A_144 = arith.constant 1 : index
      %swap3A_145 = arith.constant 0 : index
      %swap3A_146 = arith.index_cast %scan3A_33 : i32 to index
      %swap3A_147 = memref.load %arg5[%swap3A_144, %swap3A_145, %swap3A_146] : memref<4x1x512xi32, #tpu.memory_space<smem>>
      memref.store %scan3A_35, %arg5[%swap3A_144, %swap3A_145, %swap3A_146] : memref<4x1x512xi32, #tpu.memory_space<smem>>
      %mul3A_148 = arith.constant 3 : i32
      %mul3A_149 = arith.muli %mul3A_148, %scan3A_33 : i32
      %swap3A_150 = arith.constant 1 : index
      %swap3A_151 = arith.constant 0 : index
      %swap3A_152 = arith.index_cast %mul3A_149 : i32 to index
      %swap3A_153 = memref.load %arg6[%swap3A_150, %swap3A_151, %swap3A_152] : memref<4x1x1536xf32, #tpu.memory_space<smem>>
      memref.store %get3A_129, %arg6[%swap3A_150, %swap3A_151, %swap3A_152] : memref<4x1x1536xf32, #tpu.memory_space<smem>>
      %mul3A_154 = arith.constant 3 : i32
      %mul3A_155 = arith.muli %mul3A_154, %scan3A_33 : i32
      %add3A_156 = arith.constant 1 : i32
      %add3A_157 = arith.addi %mul3A_155, %add3A_156 : i32
      %swap3A_158 = arith.constant 1 : index
      %swap3A_159 = arith.constant 0 : index
      %swap3A_160 = arith.index_cast %add3A_157 : i32 to index
      %swap3A_161 = memref.load %arg6[%swap3A_158, %swap3A_159, %swap3A_160] : memref<4x1x1536xf32, #tpu.memory_space<smem>>
      memref.store %get3A_136, %arg6[%swap3A_158, %swap3A_159, %swap3A_160] : memref<4x1x1536xf32, #tpu.memory_space<smem>>
      %mul3A_162 = arith.constant 3 : i32
      %mul3A_163 = arith.muli %mul3A_162, %scan3A_33 : i32
      %add3A_164 = arith.constant 2 : i32
      %add3A_165 = arith.addi %mul3A_163, %add3A_164 : i32
      %swap3A_166 = arith.constant 1 : index
      %swap3A_167 = arith.constant 0 : index
      %swap3A_168 = arith.index_cast %add3A_165 : i32 to index
      %swap3A_169 = memref.load %arg6[%swap3A_166, %swap3A_167, %swap3A_168] : memref<4x1x1536xf32, #tpu.memory_space<smem>>
      memref.store %get3A_143, %arg6[%swap3A_166, %swap3A_167, %swap3A_168] : memref<4x1x1536xf32, #tpu.memory_space<smem>>
      %get3A_170 = arith.constant 0 : i32
      %get3A_171 = arith.constant 0 : i32
      %get3A_172 = arith.constant 0 : i32
      %get3A_173 = tpu.memref_slice %arg2[%get3A_170, %scan3A, %get3A_171, %get3A_172] : memref<4x1x8x1024xf32, #tpu.memory_space<vmem>> -> memref<4x1x8x1024xf32, #tpu.memory_space<vmem>>
      %get3A_174 = tpu.memref_squeeze %get3A_173 : memref<4x1x8x1024xf32, #tpu.memory_space<vmem>> -> memref<4x8x1024xf32, #tpu.memory_space<vmem>>
      %get3A_175 = arith.constant 1 : index
      %get3A_176 = arith.constant 0 : index
      %get3A_177 = arith.constant 0 : index
      %get3A_178 = vector.load %get3A_174[%get3A_175, %get3A_176, %get3A_177] : memref<4x8x1024xf32, #tpu.memory_space<vmem>>, vector<1x8x1024xf32>
      %get3A_179 = vector.shape_cast %get3A_178 : vector<1x8x1024xf32> to vector<8x1024xf32>
      %sub3A_180 = vector.broadcast %get3A_129 : f32 to vector<8x1024xf32>
      %sub3A_181 = arith.subf %get3A_179, %sub3A_180 : vector<8x1024xf32>
      %get3A_182 = arith.constant 0 : i32
      %get3A_183 = arith.constant 0 : i32
      %get3A_184 = arith.constant 0 : i32
      %get3A_185 = tpu.memref_slice %arg3[%get3A_182, %scan3A_21, %get3A_183, %get3A_184] : memref<4x1x8x1024xf32, #tpu.memory_space<vmem>> -> memref<4x1x8x1024xf32, #tpu.memory_space<vmem>>
      %get3A_186 = tpu.memref_squeeze %get3A_185 : memref<4x1x8x1024xf32, #tpu.memory_space<vmem>> -> memref<4x8x1024xf32, #tpu.memory_space<vmem>>
      %get3A_187 = arith.constant 1 : index
      %get3A_188 = arith.constant 0 : index
      %get3A_189 = arith.constant 0 : index
      %get3A_190 = vector.load %get3A_186[%get3A_187, %get3A_188, %get3A_189] : memref<4x8x1024xf32, #tpu.memory_space<vmem>>, vector<1x8x1024xf32>
      %get3A_191 = vector.shape_cast %get3A_190 : vector<1x8x1024xf32> to vector<8x1024xf32>
      %sub3A_192 = vector.broadcast %get3A_136 : f32 to vector<8x1024xf32>
      %sub3A_193 = arith.subf %get3A_191, %sub3A_192 : vector<8x1024xf32>
      %get3A_194 = arith.constant 0 : i32
      %get3A_195 = arith.constant 0 : i32
      %get3A_196 = arith.constant 0 : i32
      %get3A_197 = tpu.memref_slice %arg4[%get3A_194, %scan3A_22, %get3A_195, %get3A_196] : memref<4x1x8x1024xf32, #tpu.memory_space<vmem>> -> memref<4x1x8x1024xf32, #tpu.memory_space<vmem>>
      %get3A_198 = tpu.memref_squeeze %get3A_197 : memref<4x1x8x1024xf32, #tpu.memory_space<vmem>> -> memref<4x8x1024xf32, #tpu.memory_space<vmem>>
      %get3A_199 = arith.constant 1 : index
      %get3A_200 = arith.constant 0 : index
      %get3A_201 = arith.constant 0 : index
      %get3A_202 = vector.load %get3A_198[%get3A_199, %get3A_200, %get3A_201] : memref<4x8x1024xf32, #tpu.memory_space<vmem>>, vector<1x8x1024xf32>
      %get3A_203 = vector.shape_cast %get3A_202 : vector<1x8x1024xf32> to vector<8x1024xf32>
      %sub3A_204 = vector.broadcast %get3A_143 : f32 to vector<8x1024xf32>
      %sub3A_205 = arith.subf %get3A_203, %sub3A_204 : vector<8x1024xf32>
      %mul3A_206 = arith.mulf %sub3A_181, %sub3A_181 : vector<8x1024xf32>
      %mul3A_207 = arith.mulf %sub3A_193, %sub3A_193 : vector<8x1024xf32>
      %add3A_208 = arith.addf %mul3A_206, %mul3A_207 : vector<8x1024xf32>
      %mul3A_209 = arith.mulf %sub3A_205, %sub3A_205 : vector<8x1024xf32>
      %add3A_210 = arith.addf %add3A_208, %mul3A_209 : vector<8x1024xf32>
      %get3A_211 = arith.constant 0 : index
      %get3A_212 = arith.constant 0 : index
      %get3A_213 = vector.load %arg10[%get3A_211, %get3A_212] : memref<8x1024xf32, #tpu.memory_space<vmem>>, vector<8x1024xf32>
      %min3A_214 = arith.minimumf %get3A_213, %add3A_210 : vector<8x1024xf32>
      %mul3A_215 = arith.constant 3 : i32
      %mul3A_216 = arith.muli %mul3A_215, %scan3A_36 : i32
      %get3A_217 = arith.constant 2 : index
      %get3A_218 = arith.index_cast %mul3A_216 : i32 to index
      %get3A_219 = memref.load %arg7[%get3A_217, %get3A_218] : memref<4x24576xf32, #tpu.memory_space<smem>>
      %mul3A_220 = arith.constant 3 : i32
      %mul3A_221 = arith.muli %mul3A_220, %scan3A_36 : i32
      %add3A_222 = arith.constant 1 : i32
      %add3A_223 = arith.addi %mul3A_221, %add3A_222 : i32
      %get3A_224 = arith.constant 2 : index
      %get3A_225 = arith.index_cast %add3A_223 : i32 to index
      %get3A_226 = memref.load %arg7[%get3A_224, %get3A_225] : memref<4x24576xf32, #tpu.memory_space<smem>>
      %mul3A_227 = arith.constant 3 : i32
      %mul3A_228 = arith.muli %mul3A_227, %scan3A_36 : i32
      %add3A_229 = arith.constant 2 : i32
      %add3A_230 = arith.addi %mul3A_228, %add3A_229 : i32
      %get3A_231 = arith.constant 2 : index
      %get3A_232 = arith.index_cast %add3A_230 : i32 to index
      %get3A_233 = memref.load %arg7[%get3A_231, %get3A_232] : memref<4x24576xf32, #tpu.memory_space<smem>>
      %swap3A_234 = arith.constant 2 : index
      %swap3A_235 = arith.constant 0 : index
      %swap3A_236 = arith.index_cast %scan3A_33 : i32 to index
      %swap3A_237 = memref.load %arg5[%swap3A_234, %swap3A_235, %swap3A_236] : memref<4x1x512xi32, #tpu.memory_space<smem>>
      memref.store %scan3A_36, %arg5[%swap3A_234, %swap3A_235, %swap3A_236] : memref<4x1x512xi32, #tpu.memory_space<smem>>
      %mul3A_238 = arith.constant 3 : i32
      %mul3A_239 = arith.muli %mul3A_238, %scan3A_33 : i32
      %swap3A_240 = arith.constant 2 : index
      %swap3A_241 = arith.constant 0 : index
      %swap3A_242 = arith.index_cast %mul3A_239 : i32 to index
      %swap3A_243 = memref.load %arg6[%swap3A_240, %swap3A_241, %swap3A_242] : memref<4x1x1536xf32, #tpu.memory_space<smem>>
      memref.store %get3A_219, %arg6[%swap3A_240, %swap3A_241, %swap3A_242] : memref<4x1x1536xf32, #tpu.memory_space<smem>>
      %mul3A_244 = arith.constant 3 : i32
      %mul3A_245 = arith.muli %mul3A_244, %scan3A_33 : i32
      %add3A_246 = arith.constant 1 : i32
      %add3A_247 = arith.addi %mul3A_245, %add3A_246 : i32
      %swap3A_248 = arith.constant 2 : index
      %swap3A_249 = arith.constant 0 : index
      %swap3A_250 = arith.index_cast %add3A_247 : i32 to index
      %swap3A_251 = memref.load %arg6[%swap3A_248, %swap3A_249, %swap3A_250] : memref<4x1x1536xf32, #tpu.memory_space<smem>>
      memref.store %get3A_226, %arg6[%swap3A_248, %swap3A_249, %swap3A_250] : memref<4x1x1536xf32, #tpu.memory_space<smem>>
      %mul3A_252 = arith.constant 3 : i32
      %mul3A_253 = arith.muli %mul3A_252, %scan3A_33 : i32
      %add3A_254 = arith.constant 2 : i32
      %add3A_255 = arith.addi %mul3A_253, %add3A_254 : i32
      %swap3A_256 = arith.constant 2 : index
      %swap3A_257 = arith.constant 0 : index
      %swap3A_258 = arith.index_cast %add3A_255 : i32 to index
      %swap3A_259 = memref.load %arg6[%swap3A_256, %swap3A_257, %swap3A_258] : memref<4x1x1536xf32, #tpu.memory_space<smem>>
      memref.store %get3A_233, %arg6[%swap3A_256, %swap3A_257, %swap3A_258] : memref<4x1x1536xf32, #tpu.memory_space<smem>>
      %get3A_260 = arith.constant 0 : i32
      %get3A_261 = arith.constant 0 : i32
      %get3A_262 = arith.constant 0 : i32
      %get3A_263 = tpu.memref_slice %arg2[%get3A_260, %scan3A, %get3A_261, %get3A_262] : memref<4x1x8x1024xf32, #tpu.memory_space<vmem>> -> memref<4x1x8x1024xf32, #tpu.memory_space<vmem>>
      %get3A_264 = tpu.memref_squeeze %get3A_263 : memref<4x1x8x1024xf32, #tpu.memory_space<vmem>> -> memref<4x8x1024xf32, #tpu.memory_space<vmem>>
      %get3A_265 = arith.constant 2 : index
      %get3A_266 = arith.constant 0 : index
      %get3A_267 = arith.constant 0 : index
      %get3A_268 = vector.load %get3A_264[%get3A_265, %get3A_266, %get3A_267] : memref<4x8x1024xf32, #tpu.memory_space<vmem>>, vector<1x8x1024xf32>
      %get3A_269 = vector.shape_cast %get3A_268 : vector<1x8x1024xf32> to vector<8x1024xf32>
      %sub3A_270 = vector.broadcast %get3A_219 : f32 to vector<8x1024xf32>
      %sub3A_271 = arith.subf %get3A_269, %sub3A_270 : vector<8x1024xf32>
      %get3A_272 = arith.constant 0 : i32
      %get3A_273 = arith.constant 0 : i32
      %get3A_274 = arith.constant 0 : i32
      %get3A_275 = tpu.memref_slice %arg3[%get3A_272, %scan3A_21, %get3A_273, %get3A_274] : memref<4x1x8x1024xf32, #tpu.memory_space<vmem>> -> memref<4x1x8x1024xf32, #tpu.memory_space<vmem>>
      %get3A_276 = tpu.memref_squeeze %get3A_275 : memref<4x1x8x1024xf32, #tpu.memory_space<vmem>> -> memref<4x8x1024xf32, #tpu.memory_space<vmem>>
      %get3A_277 = arith.constant 2 : index
      %get3A_278 = arith.constant 0 : index
      %get3A_279 = arith.constant 0 : index
      %get3A_280 = vector.load %get3A_276[%get3A_277, %get3A_278, %get3A_279] : memref<4x8x1024xf32, #tpu.memory_space<vmem>>, vector<1x8x1024xf32>
      %get3A_281 = vector.shape_cast %get3A_280 : vector<1x8x1024xf32> to vector<8x1024xf32>
      %sub3A_282 = vector.broadcast %get3A_226 : f32 to vector<8x1024xf32>
      %sub3A_283 = arith.subf %get3A_281, %sub3A_282 : vector<8x1024xf32>
      %get3A_284 = arith.constant 0 : i32
      %get3A_285 = arith.constant 0 : i32
      %get3A_286 = arith.constant 0 : i32
      %get3A_287 = tpu.memref_slice %arg4[%get3A_284, %scan3A_22, %get3A_285, %get3A_286] : memref<4x1x8x1024xf32, #tpu.memory_space<vmem>> -> memref<4x1x8x1024xf32, #tpu.memory_space<vmem>>
      %get3A_288 = tpu.memref_squeeze %get3A_287 : memref<4x1x8x1024xf32, #tpu.memory_space<vmem>> -> memref<4x8x1024xf32, #tpu.memory_space<vmem>>
      %get3A_289 = arith.constant 2 : index
      %get3A_290 = arith.constant 0 : index
      %get3A_291 = arith.constant 0 : index
      %get3A_292 = vector.load %get3A_288[%get3A_289, %get3A_290, %get3A_291] : memref<4x8x1024xf32, #tpu.memory_space<vmem>>, vector<1x8x1024xf32>
      %get3A_293 = vector.shape_cast %get3A_292 : vector<1x8x1024xf32> to vector<8x1024xf32>
      %sub3A_294 = vector.broadcast %get3A_233 : f32 to vector<8x1024xf32>
      %sub3A_295 = arith.subf %get3A_293, %sub3A_294 : vector<8x1024xf32>
      %mul3A_296 = arith.mulf %sub3A_271, %sub3A_271 : vector<8x1024xf32>
      %mul3A_297 = arith.mulf %sub3A_283, %sub3A_283 : vector<8x1024xf32>
      %add3A_298 = arith.addf %mul3A_296, %mul3A_297 : vector<8x1024xf32>
      %mul3A_299 = arith.mulf %sub3A_295, %sub3A_295 : vector<8x1024xf32>
      %add3A_300 = arith.addf %add3A_298, %mul3A_299 : vector<8x1024xf32>
      %get3A_301 = arith.constant 0 : index
      %get3A_302 = arith.constant 0 : index
      %get3A_303 = vector.load %arg11[%get3A_301, %get3A_302] : memref<8x1024xf32, #tpu.memory_space<vmem>>, vector<8x1024xf32>
      %min3A_304 = arith.minimumf %get3A_303, %add3A_300 : vector<8x1024xf32>
      %mul3A_305 = arith.constant 3 : i32
      %mul3A_306 = arith.muli %mul3A_305, %scan3A_37 : i32
      %get3A_307 = arith.constant 3 : index
      %get3A_308 = arith.index_cast %mul3A_306 : i32 to index
      %get3A_309 = memref.load %arg7[%get3A_307, %get3A_308] : memref<4x24576xf32, #tpu.memory_space<smem>>
      %mul3A_310 = arith.constant 3 : i32
      %mul3A_311 = arith.muli %mul3A_310, %scan3A_37 : i32
      %add3A_312 = arith.constant 1 : i32
      %add3A_313 = arith.addi %mul3A_311, %add3A_312 : i32
      %get3A_314 = arith.constant 3 : index
      %get3A_315 = arith.index_cast %add3A_313 : i32 to index
      %get3A_316 = memref.load %arg7[%get3A_314, %get3A_315] : memref<4x24576xf32, #tpu.memory_space<smem>>
      %mul3A_317 = arith.constant 3 : i32
      %mul3A_318 = arith.muli %mul3A_317, %scan3A_37 : i32
      %add3A_319 = arith.constant 2 : i32
      %add3A_320 = arith.addi %mul3A_318, %add3A_319 : i32
      %get3A_321 = arith.constant 3 : index
      %get3A_322 = arith.index_cast %add3A_320 : i32 to index
      %get3A_323 = memref.load %arg7[%get3A_321, %get3A_322] : memref<4x24576xf32, #tpu.memory_space<smem>>
      %swap3A_324 = arith.constant 3 : index
      %swap3A_325 = arith.constant 0 : index
      %swap3A_326 = arith.index_cast %scan3A_33 : i32 to index
      %swap3A_327 = memref.load %arg5[%swap3A_324, %swap3A_325, %swap3A_326] : memref<4x1x512xi32, #tpu.memory_space<smem>>
      memref.store %scan3A_37, %arg5[%swap3A_324, %swap3A_325, %swap3A_326] : memref<4x1x512xi32, #tpu.memory_space<smem>>
      %mul3A_328 = arith.constant 3 : i32
      %mul3A_329 = arith.muli %mul3A_328, %scan3A_33 : i32
      %swap3A_330 = arith.constant 3 : index
      %swap3A_331 = arith.constant 0 : index
      %swap3A_332 = arith.index_cast %mul3A_329 : i32 to index
      %swap3A_333 = memref.load %arg6[%swap3A_330, %swap3A_331, %swap3A_332] : memref<4x1x1536xf32, #tpu.memory_space<smem>>
      memref.store %get3A_309, %arg6[%swap3A_330, %swap3A_331, %swap3A_332] : memref<4x1x1536xf32, #tpu.memory_space<smem>>
      %mul3A_334 = arith.constant 3 : i32
      %mul3A_335 = arith.muli %mul3A_334, %scan3A_33 : i32
      %add3A_336 = arith.constant 1 : i32
      %add3A_337 = arith.addi %mul3A_335, %add3A_336 : i32
      %swap3A_338 = arith.constant 3 : index
      %swap3A_339 = arith.constant 0 : index
      %swap3A_340 = arith.index_cast %add3A_337 : i32 to index
      %swap3A_341 = memref.load %arg6[%swap3A_338, %swap3A_339, %swap3A_340] : memref<4x1x1536xf32, #tpu.memory_space<smem>>
      memref.store %get3A_316, %arg6[%swap3A_338, %swap3A_339, %swap3A_340] : memref<4x1x1536xf32, #tpu.memory_space<smem>>
      %mul3A_342 = arith.constant 3 : i32
      %mul3A_343 = arith.muli %mul3A_342, %scan3A_33 : i32
      %add3A_344 = arith.constant 2 : i32
      %add3A_345 = arith.addi %mul3A_343, %add3A_344 : i32
      %swap3A_346 = arith.constant 3 : index
      %swap3A_347 = arith.constant 0 : index
      %swap3A_348 = arith.index_cast %add3A_345 : i32 to index
      %swap3A_349 = memref.load %arg6[%swap3A_346, %swap3A_347, %swap3A_348] : memref<4x1x1536xf32, #tpu.memory_space<smem>>
      memref.store %get3A_323, %arg6[%swap3A_346, %swap3A_347, %swap3A_348] : memref<4x1x1536xf32, #tpu.memory_space<smem>>
      %get3A_350 = arith.constant 0 : i32
      %get3A_351 = arith.constant 0 : i32
      %get3A_352 = arith.constant 0 : i32
      %get3A_353 = tpu.memref_slice %arg2[%get3A_350, %scan3A, %get3A_351, %get3A_352] : memref<4x1x8x1024xf32, #tpu.memory_space<vmem>> -> memref<4x1x8x1024xf32, #tpu.memory_space<vmem>>
      %get3A_354 = tpu.memref_squeeze %get3A_353 : memref<4x1x8x1024xf32, #tpu.memory_space<vmem>> -> memref<4x8x1024xf32, #tpu.memory_space<vmem>>
      %get3A_355 = arith.constant 3 : index
      %get3A_356 = arith.constant 0 : index
      %get3A_357 = arith.constant 0 : index
      %get3A_358 = vector.load %get3A_354[%get3A_355, %get3A_356, %get3A_357] : memref<4x8x1024xf32, #tpu.memory_space<vmem>>, vector<1x8x1024xf32>
      %get3A_359 = vector.shape_cast %get3A_358 : vector<1x8x1024xf32> to vector<8x1024xf32>
      %sub3A_360 = vector.broadcast %get3A_309 : f32 to vector<8x1024xf32>
      %sub3A_361 = arith.subf %get3A_359, %sub3A_360 : vector<8x1024xf32>
      %get3A_362 = arith.constant 0 : i32
      %get3A_363 = arith.constant 0 : i32
      %get3A_364 = arith.constant 0 : i32
      %get3A_365 = tpu.memref_slice %arg3[%get3A_362, %scan3A_21, %get3A_363, %get3A_364] : memref<4x1x8x1024xf32, #tpu.memory_space<vmem>> -> memref<4x1x8x1024xf32, #tpu.memory_space<vmem>>
      %get3A_366 = tpu.memref_squeeze %get3A_365 : memref<4x1x8x1024xf32, #tpu.memory_space<vmem>> -> memref<4x8x1024xf32, #tpu.memory_space<vmem>>
      %get3A_367 = arith.constant 3 : index
      %get3A_368 = arith.constant 0 : index
      %get3A_369 = arith.constant 0 : index
      %get3A_370 = vector.load %get3A_366[%get3A_367, %get3A_368, %get3A_369] : memref<4x8x1024xf32, #tpu.memory_space<vmem>>, vector<1x8x1024xf32>
      %get3A_371 = vector.shape_cast %get3A_370 : vector<1x8x1024xf32> to vector<8x1024xf32>
      %sub3A_372 = vector.broadcast %get3A_316 : f32 to vector<8x1024xf32>
      %sub3A_373 = arith.subf %get3A_371, %sub3A_372 : vector<8x1024xf32>
      %get3A_374 = arith.constant 0 : i32
      %get3A_375 = arith.constant 0 : i32
      %get3A_376 = arith.constant 0 : i32
      %get3A_377 = tpu.memref_slice %arg4[%get3A_374, %scan3A_22, %get3A_375, %get3A_376] : memref<4x1x8x1024xf32, #tpu.memory_space<vmem>> -> memref<4x1x8x1024xf32, #tpu.memory_space<vmem>>
      %get3A_378 = tpu.memref_squeeze %get3A_377 : memref<4x1x8x1024xf32, #tpu.memory_space<vmem>> -> memref<4x8x1024xf32, #tpu.memory_space<vmem>>
      %get3A_379 = arith.constant 3 : index
      %get3A_380 = arith.constant 0 : index
      %get3A_381 = arith.constant 0 : index
      %get3A_382 = vector.load %get3A_378[%get3A_379, %get3A_380, %get3A_381] : memref<4x8x1024xf32, #tpu.memory_space<vmem>>, vector<1x8x1024xf32>
      %get3A_383 = vector.shape_cast %get3A_382 : vector<1x8x1024xf32> to vector<8x1024xf32>
      %sub3A_384 = vector.broadcast %get3A_323 : f32 to vector<8x1024xf32>
      %sub3A_385 = arith.subf %get3A_383, %sub3A_384 : vector<8x1024xf32>
      %mul3A_386 = arith.mulf %sub3A_361, %sub3A_361 : vector<8x1024xf32>
      %mul3A_387 = arith.mulf %sub3A_373, %sub3A_373 : vector<8x1024xf32>
      %add3A_388 = arith.addf %mul3A_386, %mul3A_387 : vector<8x1024xf32>
      %mul3A_389 = arith.mulf %sub3A_385, %sub3A_385 : vector<8x1024xf32>
      %add3A_390 = arith.addf %add3A_388, %mul3A_389 : vector<8x1024xf32>
      %get3A_391 = arith.constant 0 : index
      %get3A_392 = arith.constant 0 : index
      %get3A_393 = vector.load %arg12[%get3A_391, %get3A_392] : memref<8x1024xf32, #tpu.memory_space<vmem>>, vector<8x1024xf32>
      %min3A_394 = arith.minimumf %get3A_393, %add3A_390 : vector<8x1024xf32>
      %reduce_max3A = vector.shape_cast %min3A : vector<8x1024xf32> to vector<1x8x1024xf32>
      %reduce_max3A_395 = arith.constant dense<0xFF800000> : vector<1xf32>
      %reduce_max3A_396 = vector.multi_reduction <maximumf>, %reduce_max3A, %reduce_max3A_395 [1, 2] : vector<1x8x1024xf32> to vector<1xf32>
      %reduce_max3A_397 = vector.shape_cast %reduce_max3A_396 : vector<1xf32> to vector<1x1x1xf32>
      %reduce_max3A_398 = vector.extract %reduce_max3A_397[0, 0, 0] : f32 from vector<1x1x1xf32>
      %reduce_max3A_399 = vector.shape_cast %min3A_214 : vector<8x1024xf32> to vector<1x8x1024xf32>
      %reduce_max3A_400 = arith.constant dense<0xFF800000> : vector<1xf32>
      %reduce_max3A_401 = vector.multi_reduction <maximumf>, %reduce_max3A_399, %reduce_max3A_400 [1, 2] : vector<1x8x1024xf32> to vector<1xf32>
      %reduce_max3A_402 = vector.shape_cast %reduce_max3A_401 : vector<1xf32> to vector<1x1x1xf32>
      %reduce_max3A_403 = vector.extract %reduce_max3A_402[0, 0, 0] : f32 from vector<1x1x1xf32>
      %reduce_max3A_404 = vector.shape_cast %min3A_304 : vector<8x1024xf32> to vector<1x8x1024xf32>
      %reduce_max3A_405 = arith.constant dense<0xFF800000> : vector<1xf32>
      %reduce_max3A_406 = vector.multi_reduction <maximumf>, %reduce_max3A_404, %reduce_max3A_405 [1, 2] : vector<1x8x1024xf32> to vector<1xf32>
      %reduce_max3A_407 = vector.shape_cast %reduce_max3A_406 : vector<1xf32> to vector<1x1x1xf32>
      %reduce_max3A_408 = vector.extract %reduce_max3A_407[0, 0, 0] : f32 from vector<1x1x1xf32>
      %reduce_max3A_409 = vector.shape_cast %min3A_394 : vector<8x1024xf32> to vector<1x8x1024xf32>
      %reduce_max3A_410 = arith.constant dense<0xFF800000> : vector<1xf32>
      %reduce_max3A_411 = vector.multi_reduction <maximumf>, %reduce_max3A_409, %reduce_max3A_410 [1, 2] : vector<1x8x1024xf32> to vector<1xf32>
      %reduce_max3A_412 = vector.shape_cast %reduce_max3A_411 : vector<1xf32> to vector<1x1x1xf32>
      %reduce_max3A_413 = vector.extract %reduce_max3A_412[0, 0, 0] : f32 from vector<1x1x1xf32>
      %swap3A_414 = arith.constant 0 : index
      %swap3A_415 = arith.constant 0 : index
      %swap3A_416 = vector.load %arg9[%swap3A_414, %swap3A_415] : memref<8x1024xf32, #tpu.memory_space<vmem>>, vector<8x1024xf32>
      tpu.vector_store %arg9[%swap3A_414, %swap3A_415], %min3A {strides = array<i32>} : memref<8x1024xf32, #tpu.memory_space<vmem>>, vector<8x1024xf32>,
      %swap3A_417 = arith.constant 0 : index
      %swap3A_418 = arith.constant 0 : index
      %swap3A_419 = vector.load %arg10[%swap3A_417, %swap3A_418] : memref<8x1024xf32, #tpu.memory_space<vmem>>, vector<8x1024xf32>
      tpu.vector_store %arg10[%swap3A_417, %swap3A_418], %min3A_214 {strides = array<i32>} : memref<8x1024xf32, #tpu.memory_space<vmem>>, vector<8x1024xf32>,
      %swap3A_420 = arith.constant 0 : index
      %swap3A_421 = arith.constant 0 : index
      %swap3A_422 = vector.load %arg11[%swap3A_420, %swap3A_421] : memref<8x1024xf32, #tpu.memory_space<vmem>>, vector<8x1024xf32>
      tpu.vector_store %arg11[%swap3A_420, %swap3A_421], %min3A_304 {strides = array<i32>} : memref<8x1024xf32, #tpu.memory_space<vmem>>, vector<8x1024xf32>,
      %swap3A_423 = arith.constant 0 : index
      %swap3A_424 = arith.constant 0 : index
      %swap3A_425 = vector.load %arg12[%swap3A_423, %swap3A_424] : memref<8x1024xf32, #tpu.memory_space<vmem>>, vector<8x1024xf32>
      tpu.vector_store %arg12[%swap3A_423, %swap3A_424], %min3A_394 {strides = array<i32>} : memref<8x1024xf32, #tpu.memory_space<vmem>>, vector<8x1024xf32>,
      %eq3A = vector.broadcast %reduce_max3A_398 : f32 to vector<8x1024xf32>
      %eq3A_426 = arith.cmpf oeq, %min3A, %eq3A : vector<8x1024xf32>
      %jit3A = arith.constant 8192 : i32
      %broadcast_in_dim3A_427 = vector.broadcast %jit3A : i32 to vector<8x1024xi32>
      %select_n3A = arith.select %eq3A_426, %add3A, %broadcast_in_dim3A_427 : vector<8x1024xi1>, vector<8x1024xi32>
      %eq3A_428 = vector.broadcast %reduce_max3A_403 : f32 to vector<8x1024xf32>
      %eq3A_429 = arith.cmpf oeq, %min3A_214, %eq3A_428 : vector<8x1024xf32>
      %jit3A_430 = arith.constant 8192 : i32
      %broadcast_in_dim3A_431 = vector.broadcast %jit3A_430 : i32 to vector<8x1024xi32>
      %select_n3A_432 = arith.select %eq3A_429, %add3A, %broadcast_in_dim3A_431 : vector<8x1024xi1>, vector<8x1024xi32>
      %eq3A_433 = vector.broadcast %reduce_max3A_408 : f32 to vector<8x1024xf32>
      %eq3A_434 = arith.cmpf oeq, %min3A_304, %eq3A_433 : vector<8x1024xf32>
      %jit3A_435 = arith.constant 8192 : i32
      %broadcast_in_dim3A_436 = vector.broadcast %jit3A_435 : i32 to vector<8x1024xi32>
      %select_n3A_437 = arith.select %eq3A_434, %add3A, %broadcast_in_dim3A_436 : vector<8x1024xi1>, vector<8x1024xi32>
      %eq3A_438 = vector.broadcast %reduce_max3A_413 : f32 to vector<8x1024xf32>
      %eq3A_439 = arith.cmpf oeq, %min3A_394, %eq3A_438 : vector<8x1024xf32>
      %jit3A_440 = arith.constant 8192 : i32
      %broadcast_in_dim3A_441 = vector.broadcast %jit3A_440 : i32 to vector<8x1024xi32>
      %select_n3A_442 = arith.select %eq3A_439, %add3A, %broadcast_in_dim3A_441 : vector<8x1024xi1>, vector<8x1024xi32>
      %reduce_min3A = vector.shape_cast %select_n3A : vector<8x1024xi32> to vector<1x8x1024xi32>
      %reduce_min3A_443 = arith.constant dense<2147483647> : vector<1xi32>
      %reduce_min3A_444 = vector.multi_reduction <minsi>, %reduce_min3A, %reduce_min3A_443 [1, 2] : vector<1x8x1024xi32> to vector<1xi32>
      %reduce_min3A_445 = vector.shape_cast %reduce_min3A_444 : vector<1xi32> to vector<1x1x1xi32>
      %reduce_min3A_446 = vector.extract %reduce_min3A_445[0, 0, 0] : i32 from vector<1x1x1xi32>
      %reduce_min3A_447 = vector.shape_cast %select_n3A_432 : vector<8x1024xi32> to vector<1x8x1024xi32>
      %reduce_min3A_448 = arith.constant dense<2147483647> : vector<1xi32>
      %reduce_min3A_449 = vector.multi_reduction <minsi>, %reduce_min3A_447, %reduce_min3A_448 [1, 2] : vector<1x8x1024xi32> to vector<1xi32>
      %reduce_min3A_450 = vector.shape_cast %reduce_min3A_449 : vector<1xi32> to vector<1x1x1xi32>
      %reduce_min3A_451 = vector.extract %reduce_min3A_450[0, 0, 0] : i32 from vector<1x1x1xi32>
      %reduce_min3A_452 = vector.shape_cast %select_n3A_437 : vector<8x1024xi32> to vector<1x8x1024xi32>
      %reduce_min3A_453 = arith.constant dense<2147483647> : vector<1xi32>
      %reduce_min3A_454 = vector.multi_reduction <minsi>, %reduce_min3A_452, %reduce_min3A_453 [1, 2] : vector<1x8x1024xi32> to vector<1xi32>
      %reduce_min3A_455 = vector.shape_cast %reduce_min3A_454 : vector<1xi32> to vector<1x1x1xi32>
      %reduce_min3A_456 = vector.extract %reduce_min3A_455[0, 0, 0] : i32 from vector<1x1x1xi32>
      %reduce_min3A_457 = vector.shape_cast %select_n3A_442 : vector<8x1024xi32> to vector<1x8x1024xi32>
      %reduce_min3A_458 = arith.constant dense<2147483647> : vector<1xi32>
      %reduce_min3A_459 = vector.multi_reduction <minsi>, %reduce_min3A_457, %reduce_min3A_458 [1, 2] : vector<1x8x1024xi32> to vector<1xi32>
      %reduce_min3A_460 = vector.shape_cast %reduce_min3A_459 : vector<1xi32> to vector<1x1x1xi32>
      %reduce_min3A_461 = vector.extract %reduce_min3A_460[0, 0, 0] : i32 from vector<1x1x1xi32>
      scf.yield %reduce_min3A_446, %reduce_min3A_451, %reduce_min3A_456, %reduce_min3A_461 : i32, i32, i32, i32
    }
    %scan3A_32 = arith.constant 512 : i32
    return
  }
  func.func @transform_1(%arg0: i32) -> (i32, i32, i32, i32) {
    %c0_i32 = arith.constant 0 : i32
    %c0_i32_0 = arith.constant 0 : i32
    %c0_i32_1 = arith.constant 0 : i32
    %c0_i32_2 = arith.constant 0 : i32
    %c0_i32_3 = arith.constant 0 : i32
    return %c0_i32, %c0_i32_0, %c0_i32_1, %c0_i32_2 : i32, i32, i32, i32
  }
  func.func @transform_2(%arg0: i32) -> (i32, i32, i32, i32) {
    %c0_i32 = arith.constant 0 : i32
    %c1_i32 = arith.constant 1 : i32
    %c0_i32_0 = arith.constant 0 : i32
    %c0_i32_1 = arith.constant 0 : i32
    %c0_i32_2 = arith.constant 0 : i32
    return %c0_i32, %c1_i32, %c0_i32_0, %c0_i32_1 : i32, i32, i32, i32
  }
  func.func @transform_3(%arg0: i32) -> (i32, i32, i32, i32) {
    %c0_i32 = arith.constant 0 : i32
    %c2_i32 = arith.constant 2 : i32
    %c0_i32_0 = arith.constant 0 : i32
    %c0_i32_1 = arith.constant 0 : i32
    %c0_i32_2 = arith.constant 0 : i32
    return %c0_i32, %c2_i32, %c0_i32_0, %c0_i32_1 : i32, i32, i32, i32
  }
  func.func @transform_4(%arg0: i32) -> (i32, i32, i32) {
    %c0_i32 = arith.constant 0 : i32
    %c0_i32_0 = arith.constant 0 : i32
    %c0_i32_1 = arith.constant 0 : i32
    %c0_i32_2 = arith.constant 0 : i32
    return %c0_i32, %c0_i32_0, %c0_i32_1 : i32, i32, i32
  }
  func.func @transform_5(%arg0: i32) -> (i32, i32, i32) {
    %c0_i32 = arith.constant 0 : i32
    %c0_i32_0 = arith.constant 0 : i32
    %c0_i32_1 = arith.constant 0 : i32
    %c0_i32_2 = arith.constant 0 : i32
    return %c0_i32, %c0_i32_0, %c0_i32_1 : i32, i32, i32
  }
}

module attributes {stable_mosaic.version = 14 : i64} {
  func.func @_ballquery_kernel(%arg0: i32, %arg1: memref<1x512x3xf32, #tpu.memory_space<vmem>>, %arg2: memref<1x1x16x512xf32, #tpu.memory_space<vmem>>, %arg3: memref<1x1x16x512xf32, #tpu.memory_space<vmem>>, %arg4: memref<1x1x16x512xf32, #tpu.memory_space<vmem>>, %arg5: memref<1x512x64xi32, #tpu.memory_space<vmem>>) attributes {dimension_semantics = [#tpu.dimension_semantics<arbitrary>], iteration_bounds = array<i64: 4>, scalar_prefetch = 0 : i64, scratch_operands = 0 : i64, tpu.core_type = #tpu.core_type<tc>, window_params = [{transform_indices = @transform_0, window_bounds = array<i64: 1, 512, 3>}, {transform_indices = @transform_1, window_bounds = array<i64: 1, 1, 16, 512>}, {transform_indices = @transform_2, window_bounds = array<i64: 1, 1, 16, 512>}, {transform_indices = @transform_3, window_bounds = array<i64: 1, 1, 16, 512>}, {transform_indices = @transform_4, window_bounds = array<i64: 1, 512, 64>}]} {
    %get3A = arith.constant 0 : index
    %get3A_0 = arith.constant 0 : index
    %get3A_1 = arith.constant 0 : index
    %get3A_2 = vector.load %arg1[%get3A, %get3A_0, %get3A_1] : memref<1x512x3xf32, #tpu.memory_space<vmem>>, vector<1x512x1xf32>
    %get3A_3 = vector.shape_cast %get3A_2 : vector<1x512x1xf32> to vector<512x1xf32>
    %get3A_4 = arith.constant 0 : index
    %get3A_5 = arith.constant 0 : index
    %get3A_6 = arith.constant 1 : index
    %get3A_7 = vector.load %arg1[%get3A_4, %get3A_5, %get3A_6] : memref<1x512x3xf32, #tpu.memory_space<vmem>>, vector<1x512x1xf32>
    %get3A_8 = vector.shape_cast %get3A_7 : vector<1x512x1xf32> to vector<512x1xf32>
    %get3A_9 = arith.constant 0 : index
    %get3A_10 = arith.constant 0 : index
    %get3A_11 = arith.constant 2 : index
    %get3A_12 = vector.load %arg1[%get3A_9, %get3A_10, %get3A_11] : memref<1x512x3xf32, #tpu.memory_space<vmem>>, vector<1x512x1xf32>
    %get3A_13 = vector.shape_cast %get3A_12 : vector<1x512x1xf32> to vector<512x1xf32>
    %iota3A = tpu.iota {dimensions = array<i32: 0>} : vector<512x512xi32>
    %iota3A_14 = tpu.iota {dimensions = array<i32: 1>} : vector<512x512xi32>
    %le3A = arith.cmpi sle, %iota3A, %iota3A_14 : vector<512x512xi32>
    %jit3A = arith.constant 1.000000e+00 : f32
    %jit3A_15 = arith.constant 0.000000e+00 : f32
    %broadcast_in_dim3A = vector.broadcast %jit3A : f32 to vector<512x512xf32>
    %broadcast_in_dim3A_16 = vector.broadcast %jit3A_15 : f32 to vector<512x512xf32>
    %select_n3A = arith.select %le3A, %broadcast_in_dim3A, %broadcast_in_dim3A_16 : vector<512x512xi1>, vector<512x512xf32>
    %convert_element_type3A = arith.truncf %select_n3A : vector<512x512xf32> to vector<512x512xbf16>
    %broadcast_in_dim3A_17 = arith.constant 1.000000e+00 : bf16
    %broadcast_in_dim3A_18 = vector.broadcast %broadcast_in_dim3A_17 : bf16 to vector<512x1xbf16>
    %broadcast_in_dim3A_19 = arith.constant 0.000000e+00 : f32
    %broadcast_in_dim3A_20 = vector.broadcast %broadcast_in_dim3A_19 : f32 to vector<512x64xf32>
    %broadcast_in_dim3A_21 = arith.constant 0.000000e+00 : f32
    %broadcast_in_dim3A_22 = vector.broadcast %broadcast_in_dim3A_21 : f32 to vector<512x1xf32>
    %while3A = arith.constant 0 : i32
    %while3A_23 = arith.constant 0 : i32
    %while3A_24 = arith.constant 0 : i32
    %while3A_25 = arith.constant 0 : i32
    %while3A_26:3 = scf.while (%while3A_44 = %while3A_25, %while3A_45 = %broadcast_in_dim3A_20, %while3A_46 = %broadcast_in_dim3A_22) : (i32, vector<512x64xf32>, vector<512x1xf32>) -> (i32, vector<512x64xf32>, vector<512x1xf32>) {
      %lt3A_47 = arith.constant 16 : i32
      %lt3A_48 = arith.cmpi slt, %while3A_44, %lt3A_47 : i32
      %reduce_min3A = vector.shape_cast %while3A_46 : vector<512x1xf32> to vector<1x512x1xf32>
      %reduce_min3A_49 = arith.constant dense<0x7F800000> : vector<1xf32>
      %reduce_min3A_50 = vector.multi_reduction <minimumf>, %reduce_min3A, %reduce_min3A_49 [1, 2] : vector<1x512x1xf32> to vector<1xf32>
      %reduce_min3A_51 = vector.shape_cast %reduce_min3A_50 : vector<1xf32> to vector<1x1x1xf32>
      %reduce_min3A_52 = vector.extract %reduce_min3A_51[0, 0, 0] : f32 from vector<1x1x1xf32>
      %lt3A_53 = arith.constant 6.400000e+01 : f32
      %lt3A_54 = arith.cmpf olt, %reduce_min3A_52, %lt3A_53 : f32
      %and3A = arith.andi %lt3A_48, %lt3A_54 : i1
      scf.condition(%and3A) %while3A_44, %while3A_45, %while3A_46 : i32, vector<512x64xf32>, vector<512x1xf32>
    } do {
    ^bb0(%while3A_44: i32, %while3A_45: vector<512x64xf32>, %while3A_46: vector<512x1xf32>):
      %get3A_47 = arith.constant 0 : i32
      %get3A_48 = arith.constant 0 : i32
      %get3A_49 = arith.constant 0 : i32
      %get3A_50 = tpu.memref_slice %arg2[%get3A_47, %while3A, %get3A_48, %get3A_49] : memref<1x1x16x512xf32, #tpu.memory_space<vmem>> -> memref<1x1x16x512xf32, #tpu.memory_space<vmem>>
      %get3A_51 = tpu.memref_squeeze %get3A_50 : memref<1x1x16x512xf32, #tpu.memory_space<vmem>> -> memref<1x16x512xf32, #tpu.memory_space<vmem>>
      %get3A_52 = arith.constant 0 : index
      %get3A_53 = arith.index_cast %while3A_44 : i32 to index
      %get3A_54 = arith.constant 0 : index
      %get3A_55 = vector.load %get3A_51[%get3A_52, %get3A_53, %get3A_54] : memref<1x16x512xf32, #tpu.memory_space<vmem>>, vector<1x1x512xf32>
      %get3A_56 = vector.shape_cast %get3A_55 : vector<1x1x512xf32> to vector<1x512xf32>
      %get3A_57 = arith.constant 0 : i32
      %get3A_58 = arith.constant 0 : i32
      %get3A_59 = arith.constant 0 : i32
      %get3A_60 = tpu.memref_slice %arg3[%get3A_57, %while3A_23, %get3A_58, %get3A_59] : memref<1x1x16x512xf32, #tpu.memory_space<vmem>> -> memref<1x1x16x512xf32, #tpu.memory_space<vmem>>
      %get3A_61 = tpu.memref_squeeze %get3A_60 : memref<1x1x16x512xf32, #tpu.memory_space<vmem>> -> memref<1x16x512xf32, #tpu.memory_space<vmem>>
      %get3A_62 = arith.constant 0 : index
      %get3A_63 = arith.index_cast %while3A_44 : i32 to index
      %get3A_64 = arith.constant 0 : index
      %get3A_65 = vector.load %get3A_61[%get3A_62, %get3A_63, %get3A_64] : memref<1x16x512xf32, #tpu.memory_space<vmem>>, vector<1x1x512xf32>
      %get3A_66 = vector.shape_cast %get3A_65 : vector<1x1x512xf32> to vector<1x512xf32>
      %get3A_67 = arith.constant 0 : i32
      %get3A_68 = arith.constant 0 : i32
      %get3A_69 = arith.constant 0 : i32
      %get3A_70 = tpu.memref_slice %arg4[%get3A_67, %while3A_24, %get3A_68, %get3A_69] : memref<1x1x16x512xf32, #tpu.memory_space<vmem>> -> memref<1x1x16x512xf32, #tpu.memory_space<vmem>>
      %get3A_71 = tpu.memref_squeeze %get3A_70 : memref<1x1x16x512xf32, #tpu.memory_space<vmem>> -> memref<1x16x512xf32, #tpu.memory_space<vmem>>
      %get3A_72 = arith.constant 0 : index
      %get3A_73 = arith.index_cast %while3A_44 : i32 to index
      %get3A_74 = arith.constant 0 : index
      %get3A_75 = vector.load %get3A_71[%get3A_72, %get3A_73, %get3A_74] : memref<1x16x512xf32, #tpu.memory_space<vmem>>, vector<1x1x512xf32>
      %get3A_76 = vector.shape_cast %get3A_75 : vector<1x1x512xf32> to vector<1x512xf32>
      %sub3A = vector.broadcast %get3A_3 : vector<512x1xf32> to vector<512x512xf32>
      %sub3A_77 = vector.broadcast %get3A_56 : vector<1x512xf32> to vector<512x512xf32>
      %sub3A_78 = arith.subf %sub3A, %sub3A_77 : vector<512x512xf32>
      %sub3A_79 = vector.broadcast %get3A_8 : vector<512x1xf32> to vector<512x512xf32>
      %sub3A_80 = vector.broadcast %get3A_66 : vector<1x512xf32> to vector<512x512xf32>
      %sub3A_81 = arith.subf %sub3A_79, %sub3A_80 : vector<512x512xf32>
      %sub3A_82 = vector.broadcast %get3A_13 : vector<512x1xf32> to vector<512x512xf32>
      %sub3A_83 = vector.broadcast %get3A_76 : vector<1x512xf32> to vector<512x512xf32>
      %sub3A_84 = arith.subf %sub3A_82, %sub3A_83 : vector<512x512xf32>
      %mul3A = arith.mulf %sub3A_78, %sub3A_78 : vector<512x512xf32>
      %mul3A_85 = arith.mulf %sub3A_81, %sub3A_81 : vector<512x512xf32>
      %add3A = arith.addf %mul3A, %mul3A_85 : vector<512x512xf32>
      %mul3A_86 = arith.mulf %sub3A_84, %sub3A_84 : vector<512x512xf32>
      %add3A_87 = arith.addf %add3A, %mul3A_86 : vector<512x512xf32>
      %lt3A_88 = arith.constant 1.600000e-01 : f32
      %lt3A_89 = vector.broadcast %lt3A_88 : f32 to vector<512x512xf32>
      %lt3A_90 = arith.cmpf olt, %add3A_87, %lt3A_89 : vector<512x512xf32>
      %jit3A_91 = arith.constant 1.000000e+00 : f32
      %jit3A_92 = arith.constant 0.000000e+00 : f32
      %broadcast_in_dim3A_93 = vector.broadcast %jit3A_91 : f32 to vector<512x512xf32>
      %broadcast_in_dim3A_94 = vector.broadcast %jit3A_92 : f32 to vector<512x512xf32>
      %select_n3A_95 = arith.select %lt3A_90, %broadcast_in_dim3A_93, %broadcast_in_dim3A_94 : vector<512x512xi1>, vector<512x512xf32>
      %convert_element_type3A_96 = arith.truncf %select_n3A_95 : vector<512x512xf32> to vector<512x512xbf16>
      %dot_general3A = arith.constant dense<0.000000e+00> : vector<512x512xf32>
      %dot_general3A_97 = tpu.matmul %convert_element_type3A_96, %convert_element_type3A, %dot_general3A {dimension_numbers = #tpu.dot_dimension_numbers<[1], [0], [0], [1], [0, 0, 1, 1], [], []>, transpose_lhs_hint = false} : vector<512x512xbf16>, vector<512x512xbf16>, vector<512x512xf32> -> vector<512x512xf32>
      %add3A_98 = vector.broadcast %while3A_46 : vector<512x1xf32> to vector<512x512xf32>
      %add3A_99 = arith.addf %dot_general3A_97, %add3A_98 : vector<512x512xf32>
      %convert_element_type3A_100 = arith.truncf %add3A_99 : vector<512x512xf32> to vector<512x512xbf16>
      %le3A_101 = arith.constant 0.000000e+00 : bf16
      %le3A_102 = vector.broadcast %le3A_101 : bf16 to vector<512x512xbf16>
      %le3A_103 = arith.cmpf ole, %convert_element_type3A_100, %le3A_102 : vector<512x512xbf16>
      %jit3A_104 = arith.constant 1.000000e+00 : bf16
      %jit3A_105 = arith.constant 0.000000e+00 : bf16
      %broadcast_in_dim3A_106 = vector.broadcast %jit3A_104 : bf16 to vector<512x512xbf16>
      %broadcast_in_dim3A_107 = vector.broadcast %jit3A_105 : bf16 to vector<512x512xbf16>
      %select_n3A_108 = arith.select %le3A_103, %broadcast_in_dim3A_106, %broadcast_in_dim3A_107 : vector<512x512xi1>, vector<512x512xbf16>
      %dot_general3A_109 = arith.constant dense<0.000000e+00> : vector<512x1xf32>
      %dot_general3A_110 = tpu.matmul %select_n3A_108, %broadcast_in_dim3A_18, %dot_general3A_109 {dimension_numbers = #tpu.dot_dimension_numbers<[1], [0], [0], [1], [0, 0, 1, 1], [], []>, transpose_lhs_hint = false} : vector<512x512xbf16>, vector<512x1xbf16>, vector<512x1xf32> -> vector<512x1xf32>
      %le3A_111 = arith.constant 1.000000e+00 : bf16
      %le3A_112 = vector.broadcast %le3A_111 : bf16 to vector<512x512xbf16>
      %le3A_113 = arith.cmpf ole, %convert_element_type3A_100, %le3A_112 : vector<512x512xbf16>
      %jit3A_114 = arith.constant 1.000000e+00 : bf16
      %jit3A_115 = arith.constant 0.000000e+00 : bf16
      %broadcast_in_dim3A_116 = vector.broadcast %jit3A_114 : bf16 to vector<512x512xbf16>
      %broadcast_in_dim3A_117 = vector.broadcast %jit3A_115 : bf16 to vector<512x512xbf16>
      %select_n3A_118 = arith.select %le3A_113, %broadcast_in_dim3A_116, %broadcast_in_dim3A_117 : vector<512x512xi1>, vector<512x512xbf16>
      %dot_general3A_119 = arith.constant dense<0.000000e+00> : vector<512x1xf32>
      %dot_general3A_120 = tpu.matmul %select_n3A_118, %broadcast_in_dim3A_18, %dot_general3A_119 {dimension_numbers = #tpu.dot_dimension_numbers<[1], [0], [0], [1], [0, 0, 1, 1], [], []>, transpose_lhs_hint = false} : vector<512x512xbf16>, vector<512x1xbf16>, vector<512x1xf32> -> vector<512x1xf32>
      %le3A_121 = arith.constant 2.000000e+00 : bf16
      %le3A_122 = vector.broadcast %le3A_121 : bf16 to vector<512x512xbf16>
      %le3A_123 = arith.cmpf ole, %convert_element_type3A_100, %le3A_122 : vector<512x512xbf16>
      %jit3A_124 = arith.constant 1.000000e+00 : bf16
      %jit3A_125 = arith.constant 0.000000e+00 : bf16
      %broadcast_in_dim3A_126 = vector.broadcast %jit3A_124 : bf16 to vector<512x512xbf16>
      %broadcast_in_dim3A_127 = vector.broadcast %jit3A_125 : bf16 to vector<512x512xbf16>
      %select_n3A_128 = arith.select %le3A_123, %broadcast_in_dim3A_126, %broadcast_in_dim3A_127 : vector<512x512xi1>, vector<512x512xbf16>
      %dot_general3A_129 = arith.constant dense<0.000000e+00> : vector<512x1xf32>
      %dot_general3A_130 = tpu.matmul %select_n3A_128, %broadcast_in_dim3A_18, %dot_general3A_129 {dimension_numbers = #tpu.dot_dimension_numbers<[1], [0], [0], [1], [0, 0, 1, 1], [], []>, transpose_lhs_hint = false} : vector<512x512xbf16>, vector<512x1xbf16>, vector<512x1xf32> -> vector<512x1xf32>
      %le3A_131 = arith.constant 3.000000e+00 : bf16
      %le3A_132 = vector.broadcast %le3A_131 : bf16 to vector<512x512xbf16>
      %le3A_133 = arith.cmpf ole, %convert_element_type3A_100, %le3A_132 : vector<512x512xbf16>
      %jit3A_134 = arith.constant 1.000000e+00 : bf16
      %jit3A_135 = arith.constant 0.000000e+00 : bf16
      %broadcast_in_dim3A_136 = vector.broadcast %jit3A_134 : bf16 to vector<512x512xbf16>
      %broadcast_in_dim3A_137 = vector.broadcast %jit3A_135 : bf16 to vector<512x512xbf16>
      %select_n3A_138 = arith.select %le3A_133, %broadcast_in_dim3A_136, %broadcast_in_dim3A_137 : vector<512x512xi1>, vector<512x512xbf16>
      %dot_general3A_139 = arith.constant dense<0.000000e+00> : vector<512x1xf32>
      %dot_general3A_140 = tpu.matmul %select_n3A_138, %broadcast_in_dim3A_18, %dot_general3A_139 {dimension_numbers = #tpu.dot_dimension_numbers<[1], [0], [0], [1], [0, 0, 1, 1], [], []>, transpose_lhs_hint = false} : vector<512x512xbf16>, vector<512x1xbf16>, vector<512x1xf32> -> vector<512x1xf32>
      %le3A_141 = arith.constant 4.000000e+00 : bf16
      %le3A_142 = vector.broadcast %le3A_141 : bf16 to vector<512x512xbf16>
      %le3A_143 = arith.cmpf ole, %convert_element_type3A_100, %le3A_142 : vector<512x512xbf16>
      %jit3A_144 = arith.constant 1.000000e+00 : bf16
      %jit3A_145 = arith.constant 0.000000e+00 : bf16
      %broadcast_in_dim3A_146 = vector.broadcast %jit3A_144 : bf16 to vector<512x512xbf16>
      %broadcast_in_dim3A_147 = vector.broadcast %jit3A_145 : bf16 to vector<512x512xbf16>
      %select_n3A_148 = arith.select %le3A_143, %broadcast_in_dim3A_146, %broadcast_in_dim3A_147 : vector<512x512xi1>, vector<512x512xbf16>
      %dot_general3A_149 = arith.constant dense<0.000000e+00> : vector<512x1xf32>
      %dot_general3A_150 = tpu.matmul %select_n3A_148, %broadcast_in_dim3A_18, %dot_general3A_149 {dimension_numbers = #tpu.dot_dimension_numbers<[1], [0], [0], [1], [0, 0, 1, 1], [], []>, transpose_lhs_hint = false} : vector<512x512xbf16>, vector<512x1xbf16>, vector<512x1xf32> -> vector<512x1xf32>
      %le3A_151 = arith.constant 5.000000e+00 : bf16
      %le3A_152 = vector.broadcast %le3A_151 : bf16 to vector<512x512xbf16>
      %le3A_153 = arith.cmpf ole, %convert_element_type3A_100, %le3A_152 : vector<512x512xbf16>
      %jit3A_154 = arith.constant 1.000000e+00 : bf16
      %jit3A_155 = arith.constant 0.000000e+00 : bf16
      %broadcast_in_dim3A_156 = vector.broadcast %jit3A_154 : bf16 to vector<512x512xbf16>
      %broadcast_in_dim3A_157 = vector.broadcast %jit3A_155 : bf16 to vector<512x512xbf16>
      %select_n3A_158 = arith.select %le3A_153, %broadcast_in_dim3A_156, %broadcast_in_dim3A_157 : vector<512x512xi1>, vector<512x512xbf16>
      %dot_general3A_159 = arith.constant dense<0.000000e+00> : vector<512x1xf32>
      %dot_general3A_160 = tpu.matmul %select_n3A_158, %broadcast_in_dim3A_18, %dot_general3A_159 {dimension_numbers = #tpu.dot_dimension_numbers<[1], [0], [0], [1], [0, 0, 1, 1], [], []>, transpose_lhs_hint = false} : vector<512x512xbf16>, vector<512x1xbf16>, vector<512x1xf32> -> vector<512x1xf32>
      %le3A_161 = arith.constant 6.000000e+00 : bf16
      %le3A_162 = vector.broadcast %le3A_161 : bf16 to vector<512x512xbf16>
      %le3A_163 = arith.cmpf ole, %convert_element_type3A_100, %le3A_162 : vector<512x512xbf16>
      %jit3A_164 = arith.constant 1.000000e+00 : bf16
      %jit3A_165 = arith.constant 0.000000e+00 : bf16
      %broadcast_in_dim3A_166 = vector.broadcast %jit3A_164 : bf16 to vector<512x512xbf16>
      %broadcast_in_dim3A_167 = vector.broadcast %jit3A_165 : bf16 to vector<512x512xbf16>
      %select_n3A_168 = arith.select %le3A_163, %broadcast_in_dim3A_166, %broadcast_in_dim3A_167 : vector<512x512xi1>, vector<512x512xbf16>
      %dot_general3A_169 = arith.constant dense<0.000000e+00> : vector<512x1xf32>
      %dot_general3A_170 = tpu.matmul %select_n3A_168, %broadcast_in_dim3A_18, %dot_general3A_169 {dimension_numbers = #tpu.dot_dimension_numbers<[1], [0], [0], [1], [0, 0, 1, 1], [], []>, transpose_lhs_hint = false} : vector<512x512xbf16>, vector<512x1xbf16>, vector<512x1xf32> -> vector<512x1xf32>
      %le3A_171 = arith.constant 7.000000e+00 : bf16
      %le3A_172 = vector.broadcast %le3A_171 : bf16 to vector<512x512xbf16>
      %le3A_173 = arith.cmpf ole, %convert_element_type3A_100, %le3A_172 : vector<512x512xbf16>
      %jit3A_174 = arith.constant 1.000000e+00 : bf16
      %jit3A_175 = arith.constant 0.000000e+00 : bf16
      %broadcast_in_dim3A_176 = vector.broadcast %jit3A_174 : bf16 to vector<512x512xbf16>
      %broadcast_in_dim3A_177 = vector.broadcast %jit3A_175 : bf16 to vector<512x512xbf16>
      %select_n3A_178 = arith.select %le3A_173, %broadcast_in_dim3A_176, %broadcast_in_dim3A_177 : vector<512x512xi1>, vector<512x512xbf16>
      %dot_general3A_179 = arith.constant dense<0.000000e+00> : vector<512x1xf32>
      %dot_general3A_180 = tpu.matmul %select_n3A_178, %broadcast_in_dim3A_18, %dot_general3A_179 {dimension_numbers = #tpu.dot_dimension_numbers<[1], [0], [0], [1], [0, 0, 1, 1], [], []>, transpose_lhs_hint = false} : vector<512x512xbf16>, vector<512x1xbf16>, vector<512x1xf32> -> vector<512x1xf32>
      %le3A_181 = arith.constant 8.000000e+00 : bf16
      %le3A_182 = vector.broadcast %le3A_181 : bf16 to vector<512x512xbf16>
      %le3A_183 = arith.cmpf ole, %convert_element_type3A_100, %le3A_182 : vector<512x512xbf16>
      %jit3A_184 = arith.constant 1.000000e+00 : bf16
      %jit3A_185 = arith.constant 0.000000e+00 : bf16
      %broadcast_in_dim3A_186 = vector.broadcast %jit3A_184 : bf16 to vector<512x512xbf16>
      %broadcast_in_dim3A_187 = vector.broadcast %jit3A_185 : bf16 to vector<512x512xbf16>
      %select_n3A_188 = arith.select %le3A_183, %broadcast_in_dim3A_186, %broadcast_in_dim3A_187 : vector<512x512xi1>, vector<512x512xbf16>
      %dot_general3A_189 = arith.constant dense<0.000000e+00> : vector<512x1xf32>
      %dot_general3A_190 = tpu.matmul %select_n3A_188, %broadcast_in_dim3A_18, %dot_general3A_189 {dimension_numbers = #tpu.dot_dimension_numbers<[1], [0], [0], [1], [0, 0, 1, 1], [], []>, transpose_lhs_hint = false} : vector<512x512xbf16>, vector<512x1xbf16>, vector<512x1xf32> -> vector<512x1xf32>
      %le3A_191 = arith.constant 9.000000e+00 : bf16
      %le3A_192 = vector.broadcast %le3A_191 : bf16 to vector<512x512xbf16>
      %le3A_193 = arith.cmpf ole, %convert_element_type3A_100, %le3A_192 : vector<512x512xbf16>
      %jit3A_194 = arith.constant 1.000000e+00 : bf16
      %jit3A_195 = arith.constant 0.000000e+00 : bf16
      %broadcast_in_dim3A_196 = vector.broadcast %jit3A_194 : bf16 to vector<512x512xbf16>
      %broadcast_in_dim3A_197 = vector.broadcast %jit3A_195 : bf16 to vector<512x512xbf16>
      %select_n3A_198 = arith.select %le3A_193, %broadcast_in_dim3A_196, %broadcast_in_dim3A_197 : vector<512x512xi1>, vector<512x512xbf16>
      %dot_general3A_199 = arith.constant dense<0.000000e+00> : vector<512x1xf32>
      %dot_general3A_200 = tpu.matmul %select_n3A_198, %broadcast_in_dim3A_18, %dot_general3A_199 {dimension_numbers = #tpu.dot_dimension_numbers<[1], [0], [0], [1], [0, 0, 1, 1], [], []>, transpose_lhs_hint = false} : vector<512x512xbf16>, vector<512x1xbf16>, vector<512x1xf32> -> vector<512x1xf32>
      %le3A_201 = arith.constant 1.000000e+01 : bf16
      %le3A_202 = vector.broadcast %le3A_201 : bf16 to vector<512x512xbf16>
      %le3A_203 = arith.cmpf ole, %convert_element_type3A_100, %le3A_202 : vector<512x512xbf16>
      %jit3A_204 = arith.constant 1.000000e+00 : bf16
      %jit3A_205 = arith.constant 0.000000e+00 : bf16
      %broadcast_in_dim3A_206 = vector.broadcast %jit3A_204 : bf16 to vector<512x512xbf16>
      %broadcast_in_dim3A_207 = vector.broadcast %jit3A_205 : bf16 to vector<512x512xbf16>
      %select_n3A_208 = arith.select %le3A_203, %broadcast_in_dim3A_206, %broadcast_in_dim3A_207 : vector<512x512xi1>, vector<512x512xbf16>
      %dot_general3A_209 = arith.constant dense<0.000000e+00> : vector<512x1xf32>
      %dot_general3A_210 = tpu.matmul %select_n3A_208, %broadcast_in_dim3A_18, %dot_general3A_209 {dimension_numbers = #tpu.dot_dimension_numbers<[1], [0], [0], [1], [0, 0, 1, 1], [], []>, transpose_lhs_hint = false} : vector<512x512xbf16>, vector<512x1xbf16>, vector<512x1xf32> -> vector<512x1xf32>
      %le3A_211 = arith.constant 1.100000e+01 : bf16
      %le3A_212 = vector.broadcast %le3A_211 : bf16 to vector<512x512xbf16>
      %le3A_213 = arith.cmpf ole, %convert_element_type3A_100, %le3A_212 : vector<512x512xbf16>
      %jit3A_214 = arith.constant 1.000000e+00 : bf16
      %jit3A_215 = arith.constant 0.000000e+00 : bf16
      %broadcast_in_dim3A_216 = vector.broadcast %jit3A_214 : bf16 to vector<512x512xbf16>
      %broadcast_in_dim3A_217 = vector.broadcast %jit3A_215 : bf16 to vector<512x512xbf16>
      %select_n3A_218 = arith.select %le3A_213, %broadcast_in_dim3A_216, %broadcast_in_dim3A_217 : vector<512x512xi1>, vector<512x512xbf16>
      %dot_general3A_219 = arith.constant dense<0.000000e+00> : vector<512x1xf32>
      %dot_general3A_220 = tpu.matmul %select_n3A_218, %broadcast_in_dim3A_18, %dot_general3A_219 {dimension_numbers = #tpu.dot_dimension_numbers<[1], [0], [0], [1], [0, 0, 1, 1], [], []>, transpose_lhs_hint = false} : vector<512x512xbf16>, vector<512x1xbf16>, vector<512x1xf32> -> vector<512x1xf32>
      %le3A_221 = arith.constant 1.200000e+01 : bf16
      %le3A_222 = vector.broadcast %le3A_221 : bf16 to vector<512x512xbf16>
      %le3A_223 = arith.cmpf ole, %convert_element_type3A_100, %le3A_222 : vector<512x512xbf16>
      %jit3A_224 = arith.constant 1.000000e+00 : bf16
      %jit3A_225 = arith.constant 0.000000e+00 : bf16
      %broadcast_in_dim3A_226 = vector.broadcast %jit3A_224 : bf16 to vector<512x512xbf16>
      %broadcast_in_dim3A_227 = vector.broadcast %jit3A_225 : bf16 to vector<512x512xbf16>
      %select_n3A_228 = arith.select %le3A_223, %broadcast_in_dim3A_226, %broadcast_in_dim3A_227 : vector<512x512xi1>, vector<512x512xbf16>
      %dot_general3A_229 = arith.constant dense<0.000000e+00> : vector<512x1xf32>
      %dot_general3A_230 = tpu.matmul %select_n3A_228, %broadcast_in_dim3A_18, %dot_general3A_229 {dimension_numbers = #tpu.dot_dimension_numbers<[1], [0], [0], [1], [0, 0, 1, 1], [], []>, transpose_lhs_hint = false} : vector<512x512xbf16>, vector<512x1xbf16>, vector<512x1xf32> -> vector<512x1xf32>
      %le3A_231 = arith.constant 1.300000e+01 : bf16
      %le3A_232 = vector.broadcast %le3A_231 : bf16 to vector<512x512xbf16>
      %le3A_233 = arith.cmpf ole, %convert_element_type3A_100, %le3A_232 : vector<512x512xbf16>
      %jit3A_234 = arith.constant 1.000000e+00 : bf16
      %jit3A_235 = arith.constant 0.000000e+00 : bf16
      %broadcast_in_dim3A_236 = vector.broadcast %jit3A_234 : bf16 to vector<512x512xbf16>
      %broadcast_in_dim3A_237 = vector.broadcast %jit3A_235 : bf16 to vector<512x512xbf16>
      %select_n3A_238 = arith.select %le3A_233, %broadcast_in_dim3A_236, %broadcast_in_dim3A_237 : vector<512x512xi1>, vector<512x512xbf16>
      %dot_general3A_239 = arith.constant dense<0.000000e+00> : vector<512x1xf32>
      %dot_general3A_240 = tpu.matmul %select_n3A_238, %broadcast_in_dim3A_18, %dot_general3A_239 {dimension_numbers = #tpu.dot_dimension_numbers<[1], [0], [0], [1], [0, 0, 1, 1], [], []>, transpose_lhs_hint = false} : vector<512x512xbf16>, vector<512x1xbf16>, vector<512x1xf32> -> vector<512x1xf32>
      %le3A_241 = arith.constant 1.400000e+01 : bf16
      %le3A_242 = vector.broadcast %le3A_241 : bf16 to vector<512x512xbf16>
      %le3A_243 = arith.cmpf ole, %convert_element_type3A_100, %le3A_242 : vector<512x512xbf16>
      %jit3A_244 = arith.constant 1.000000e+00 : bf16
      %jit3A_245 = arith.constant 0.000000e+00 : bf16
      %broadcast_in_dim3A_246 = vector.broadcast %jit3A_244 : bf16 to vector<512x512xbf16>
      %broadcast_in_dim3A_247 = vector.broadcast %jit3A_245 : bf16 to vector<512x512xbf16>
      %select_n3A_248 = arith.select %le3A_243, %broadcast_in_dim3A_246, %broadcast_in_dim3A_247 : vector<512x512xi1>, vector<512x512xbf16>
      %dot_general3A_249 = arith.constant dense<0.000000e+00> : vector<512x1xf32>
      %dot_general3A_250 = tpu.matmul %select_n3A_248, %broadcast_in_dim3A_18, %dot_general3A_249 {dimension_numbers = #tpu.dot_dimension_numbers<[1], [0], [0], [1], [0, 0, 1, 1], [], []>, transpose_lhs_hint = false} : vector<512x512xbf16>, vector<512x1xbf16>, vector<512x1xf32> -> vector<512x1xf32>
      %le3A_251 = arith.constant 1.500000e+01 : bf16
      %le3A_252 = vector.broadcast %le3A_251 : bf16 to vector<512x512xbf16>
      %le3A_253 = arith.cmpf ole, %convert_element_type3A_100, %le3A_252 : vector<512x512xbf16>
      %jit3A_254 = arith.constant 1.000000e+00 : bf16
      %jit3A_255 = arith.constant 0.000000e+00 : bf16
      %broadcast_in_dim3A_256 = vector.broadcast %jit3A_254 : bf16 to vector<512x512xbf16>
      %broadcast_in_dim3A_257 = vector.broadcast %jit3A_255 : bf16 to vector<512x512xbf16>
      %select_n3A_258 = arith.select %le3A_253, %broadcast_in_dim3A_256, %broadcast_in_dim3A_257 : vector<512x512xi1>, vector<512x512xbf16>
      %dot_general3A_259 = arith.constant dense<0.000000e+00> : vector<512x1xf32>
      %dot_general3A_260 = tpu.matmul %select_n3A_258, %broadcast_in_dim3A_18, %dot_general3A_259 {dimension_numbers = #tpu.dot_dimension_numbers<[1], [0], [0], [1], [0, 0, 1, 1], [], []>, transpose_lhs_hint = false} : vector<512x512xbf16>, vector<512x1xbf16>, vector<512x1xf32> -> vector<512x1xf32>
      %le3A_261 = arith.constant 1.600000e+01 : bf16
      %le3A_262 = vector.broadcast %le3A_261 : bf16 to vector<512x512xbf16>
      %le3A_263 = arith.cmpf ole, %convert_element_type3A_100, %le3A_262 : vector<512x512xbf16>
      %jit3A_264 = arith.constant 1.000000e+00 : bf16
      %jit3A_265 = arith.constant 0.000000e+00 : bf16
      %broadcast_in_dim3A_266 = vector.broadcast %jit3A_264 : bf16 to vector<512x512xbf16>
      %broadcast_in_dim3A_267 = vector.broadcast %jit3A_265 : bf16 to vector<512x512xbf16>
      %select_n3A_268 = arith.select %le3A_263, %broadcast_in_dim3A_266, %broadcast_in_dim3A_267 : vector<512x512xi1>, vector<512x512xbf16>
      %dot_general3A_269 = arith.constant dense<0.000000e+00> : vector<512x1xf32>
      %dot_general3A_270 = tpu.matmul %select_n3A_268, %broadcast_in_dim3A_18, %dot_general3A_269 {dimension_numbers = #tpu.dot_dimension_numbers<[1], [0], [0], [1], [0, 0, 1, 1], [], []>, transpose_lhs_hint = false} : vector<512x512xbf16>, vector<512x1xbf16>, vector<512x1xf32> -> vector<512x1xf32>
      %le3A_271 = arith.constant 1.700000e+01 : bf16
      %le3A_272 = vector.broadcast %le3A_271 : bf16 to vector<512x512xbf16>
      %le3A_273 = arith.cmpf ole, %convert_element_type3A_100, %le3A_272 : vector<512x512xbf16>
      %jit3A_274 = arith.constant 1.000000e+00 : bf16
      %jit3A_275 = arith.constant 0.000000e+00 : bf16
      %broadcast_in_dim3A_276 = vector.broadcast %jit3A_274 : bf16 to vector<512x512xbf16>
      %broadcast_in_dim3A_277 = vector.broadcast %jit3A_275 : bf16 to vector<512x512xbf16>
      %select_n3A_278 = arith.select %le3A_273, %broadcast_in_dim3A_276, %broadcast_in_dim3A_277 : vector<512x512xi1>, vector<512x512xbf16>
      %dot_general3A_279 = arith.constant dense<0.000000e+00> : vector<512x1xf32>
      %dot_general3A_280 = tpu.matmul %select_n3A_278, %broadcast_in_dim3A_18, %dot_general3A_279 {dimension_numbers = #tpu.dot_dimension_numbers<[1], [0], [0], [1], [0, 0, 1, 1], [], []>, transpose_lhs_hint = false} : vector<512x512xbf16>, vector<512x1xbf16>, vector<512x1xf32> -> vector<512x1xf32>
      %le3A_281 = arith.constant 1.800000e+01 : bf16
      %le3A_282 = vector.broadcast %le3A_281 : bf16 to vector<512x512xbf16>
      %le3A_283 = arith.cmpf ole, %convert_element_type3A_100, %le3A_282 : vector<512x512xbf16>
      %jit3A_284 = arith.constant 1.000000e+00 : bf16
      %jit3A_285 = arith.constant 0.000000e+00 : bf16
      %broadcast_in_dim3A_286 = vector.broadcast %jit3A_284 : bf16 to vector<512x512xbf16>
      %broadcast_in_dim3A_287 = vector.broadcast %jit3A_285 : bf16 to vector<512x512xbf16>
      %select_n3A_288 = arith.select %le3A_283, %broadcast_in_dim3A_286, %broadcast_in_dim3A_287 : vector<512x512xi1>, vector<512x512xbf16>
      %dot_general3A_289 = arith.constant dense<0.000000e+00> : vector<512x1xf32>
      %dot_general3A_290 = tpu.matmul %select_n3A_288, %broadcast_in_dim3A_18, %dot_general3A_289 {dimension_numbers = #tpu.dot_dimension_numbers<[1], [0], [0], [1], [0, 0, 1, 1], [], []>, transpose_lhs_hint = false} : vector<512x512xbf16>, vector<512x1xbf16>, vector<512x1xf32> -> vector<512x1xf32>
      %le3A_291 = arith.constant 1.900000e+01 : bf16
      %le3A_292 = vector.broadcast %le3A_291 : bf16 to vector<512x512xbf16>
      %le3A_293 = arith.cmpf ole, %convert_element_type3A_100, %le3A_292 : vector<512x512xbf16>
      %jit3A_294 = arith.constant 1.000000e+00 : bf16
      %jit3A_295 = arith.constant 0.000000e+00 : bf16
      %broadcast_in_dim3A_296 = vector.broadcast %jit3A_294 : bf16 to vector<512x512xbf16>
      %broadcast_in_dim3A_297 = vector.broadcast %jit3A_295 : bf16 to vector<512x512xbf16>
      %select_n3A_298 = arith.select %le3A_293, %broadcast_in_dim3A_296, %broadcast_in_dim3A_297 : vector<512x512xi1>, vector<512x512xbf16>
      %dot_general3A_299 = arith.constant dense<0.000000e+00> : vector<512x1xf32>
      %dot_general3A_300 = tpu.matmul %select_n3A_298, %broadcast_in_dim3A_18, %dot_general3A_299 {dimension_numbers = #tpu.dot_dimension_numbers<[1], [0], [0], [1], [0, 0, 1, 1], [], []>, transpose_lhs_hint = false} : vector<512x512xbf16>, vector<512x1xbf16>, vector<512x1xf32> -> vector<512x1xf32>
      %le3A_301 = arith.constant 2.000000e+01 : bf16
      %le3A_302 = vector.broadcast %le3A_301 : bf16 to vector<512x512xbf16>
      %le3A_303 = arith.cmpf ole, %convert_element_type3A_100, %le3A_302 : vector<512x512xbf16>
      %jit3A_304 = arith.constant 1.000000e+00 : bf16
      %jit3A_305 = arith.constant 0.000000e+00 : bf16
      %broadcast_in_dim3A_306 = vector.broadcast %jit3A_304 : bf16 to vector<512x512xbf16>
      %broadcast_in_dim3A_307 = vector.broadcast %jit3A_305 : bf16 to vector<512x512xbf16>
      %select_n3A_308 = arith.select %le3A_303, %broadcast_in_dim3A_306, %broadcast_in_dim3A_307 : vector<512x512xi1>, vector<512x512xbf16>
      %dot_general3A_309 = arith.constant dense<0.000000e+00> : vector<512x1xf32>
      %dot_general3A_310 = tpu.matmul %select_n3A_308, %broadcast_in_dim3A_18, %dot_general3A_309 {dimension_numbers = #tpu.dot_dimension_numbers<[1], [0], [0], [1], [0, 0, 1, 1], [], []>, transpose_lhs_hint = false} : vector<512x512xbf16>, vector<512x1xbf16>, vector<512x1xf32> -> vector<512x1xf32>
      %le3A_311 = arith.constant 2.100000e+01 : bf16
      %le3A_312 = vector.broadcast %le3A_311 : bf16 to vector<512x512xbf16>
      %le3A_313 = arith.cmpf ole, %convert_element_type3A_100, %le3A_312 : vector<512x512xbf16>
      %jit3A_314 = arith.constant 1.000000e+00 : bf16
      %jit3A_315 = arith.constant 0.000000e+00 : bf16
      %broadcast_in_dim3A_316 = vector.broadcast %jit3A_314 : bf16 to vector<512x512xbf16>
      %broadcast_in_dim3A_317 = vector.broadcast %jit3A_315 : bf16 to vector<512x512xbf16>
      %select_n3A_318 = arith.select %le3A_313, %broadcast_in_dim3A_316, %broadcast_in_dim3A_317 : vector<512x512xi1>, vector<512x512xbf16>
      %dot_general3A_319 = arith.constant dense<0.000000e+00> : vector<512x1xf32>
      %dot_general3A_320 = tpu.matmul %select_n3A_318, %broadcast_in_dim3A_18, %dot_general3A_319 {dimension_numbers = #tpu.dot_dimension_numbers<[1], [0], [0], [1], [0, 0, 1, 1], [], []>, transpose_lhs_hint = false} : vector<512x512xbf16>, vector<512x1xbf16>, vector<512x1xf32> -> vector<512x1xf32>
      %le3A_321 = arith.constant 2.200000e+01 : bf16
      %le3A_322 = vector.broadcast %le3A_321 : bf16 to vector<512x512xbf16>
      %le3A_323 = arith.cmpf ole, %convert_element_type3A_100, %le3A_322 : vector<512x512xbf16>
      %jit3A_324 = arith.constant 1.000000e+00 : bf16
      %jit3A_325 = arith.constant 0.000000e+00 : bf16
      %broadcast_in_dim3A_326 = vector.broadcast %jit3A_324 : bf16 to vector<512x512xbf16>
      %broadcast_in_dim3A_327 = vector.broadcast %jit3A_325 : bf16 to vector<512x512xbf16>
      %select_n3A_328 = arith.select %le3A_323, %broadcast_in_dim3A_326, %broadcast_in_dim3A_327 : vector<512x512xi1>, vector<512x512xbf16>
      %dot_general3A_329 = arith.constant dense<0.000000e+00> : vector<512x1xf32>
      %dot_general3A_330 = tpu.matmul %select_n3A_328, %broadcast_in_dim3A_18, %dot_general3A_329 {dimension_numbers = #tpu.dot_dimension_numbers<[1], [0], [0], [1], [0, 0, 1, 1], [], []>, transpose_lhs_hint = false} : vector<512x512xbf16>, vector<512x1xbf16>, vector<512x1xf32> -> vector<512x1xf32>
      %le3A_331 = arith.constant 2.300000e+01 : bf16
      %le3A_332 = vector.broadcast %le3A_331 : bf16 to vector<512x512xbf16>
      %le3A_333 = arith.cmpf ole, %convert_element_type3A_100, %le3A_332 : vector<512x512xbf16>
      %jit3A_334 = arith.constant 1.000000e+00 : bf16
      %jit3A_335 = arith.constant 0.000000e+00 : bf16
      %broadcast_in_dim3A_336 = vector.broadcast %jit3A_334 : bf16 to vector<512x512xbf16>
      %broadcast_in_dim3A_337 = vector.broadcast %jit3A_335 : bf16 to vector<512x512xbf16>
      %select_n3A_338 = arith.select %le3A_333, %broadcast_in_dim3A_336, %broadcast_in_dim3A_337 : vector<512x512xi1>, vector<512x512xbf16>
      %dot_general3A_339 = arith.constant dense<0.000000e+00> : vector<512x1xf32>
      %dot_general3A_340 = tpu.matmul %select_n3A_338, %broadcast_in_dim3A_18, %dot_general3A_339 {dimension_numbers = #tpu.dot_dimension_numbers<[1], [0], [0], [1], [0, 0, 1, 1], [], []>, transpose_lhs_hint = false} : vector<512x512xbf16>, vector<512x1xbf16>, vector<512x1xf32> -> vector<512x1xf32>
      %le3A_341 = arith.constant 2.400000e+01 : bf16
      %le3A_342 = vector.broadcast %le3A_341 : bf16 to vector<512x512xbf16>
      %le3A_343 = arith.cmpf ole, %convert_element_type3A_100, %le3A_342 : vector<512x512xbf16>
      %jit3A_344 = arith.constant 1.000000e+00 : bf16
      %jit3A_345 = arith.constant 0.000000e+00 : bf16
      %broadcast_in_dim3A_346 = vector.broadcast %jit3A_344 : bf16 to vector<512x512xbf16>
      %broadcast_in_dim3A_347 = vector.broadcast %jit3A_345 : bf16 to vector<512x512xbf16>
      %select_n3A_348 = arith.select %le3A_343, %broadcast_in_dim3A_346, %broadcast_in_dim3A_347 : vector<512x512xi1>, vector<512x512xbf16>
      %dot_general3A_349 = arith.constant dense<0.000000e+00> : vector<512x1xf32>
      %dot_general3A_350 = tpu.matmul %select_n3A_348, %broadcast_in_dim3A_18, %dot_general3A_349 {dimension_numbers = #tpu.dot_dimension_numbers<[1], [0], [0], [1], [0, 0, 1, 1], [], []>, transpose_lhs_hint = false} : vector<512x512xbf16>, vector<512x1xbf16>, vector<512x1xf32> -> vector<512x1xf32>
      %le3A_351 = arith.constant 2.500000e+01 : bf16
      %le3A_352 = vector.broadcast %le3A_351 : bf16 to vector<512x512xbf16>
      %le3A_353 = arith.cmpf ole, %convert_element_type3A_100, %le3A_352 : vector<512x512xbf16>
      %jit3A_354 = arith.constant 1.000000e+00 : bf16
      %jit3A_355 = arith.constant 0.000000e+00 : bf16
      %broadcast_in_dim3A_356 = vector.broadcast %jit3A_354 : bf16 to vector<512x512xbf16>
      %broadcast_in_dim3A_357 = vector.broadcast %jit3A_355 : bf16 to vector<512x512xbf16>
      %select_n3A_358 = arith.select %le3A_353, %broadcast_in_dim3A_356, %broadcast_in_dim3A_357 : vector<512x512xi1>, vector<512x512xbf16>
      %dot_general3A_359 = arith.constant dense<0.000000e+00> : vector<512x1xf32>
      %dot_general3A_360 = tpu.matmul %select_n3A_358, %broadcast_in_dim3A_18, %dot_general3A_359 {dimension_numbers = #tpu.dot_dimension_numbers<[1], [0], [0], [1], [0, 0, 1, 1], [], []>, transpose_lhs_hint = false} : vector<512x512xbf16>, vector<512x1xbf16>, vector<512x1xf32> -> vector<512x1xf32>
      %le3A_361 = arith.constant 2.600000e+01 : bf16
      %le3A_362 = vector.broadcast %le3A_361 : bf16 to vector<512x512xbf16>
      %le3A_363 = arith.cmpf ole, %convert_element_type3A_100, %le3A_362 : vector<512x512xbf16>
      %jit3A_364 = arith.constant 1.000000e+00 : bf16
      %jit3A_365 = arith.constant 0.000000e+00 : bf16
      %broadcast_in_dim3A_366 = vector.broadcast %jit3A_364 : bf16 to vector<512x512xbf16>
      %broadcast_in_dim3A_367 = vector.broadcast %jit3A_365 : bf16 to vector<512x512xbf16>
      %select_n3A_368 = arith.select %le3A_363, %broadcast_in_dim3A_366, %broadcast_in_dim3A_367 : vector<512x512xi1>, vector<512x512xbf16>
      %dot_general3A_369 = arith.constant dense<0.000000e+00> : vector<512x1xf32>
      %dot_general3A_370 = tpu.matmul %select_n3A_368, %broadcast_in_dim3A_18, %dot_general3A_369 {dimension_numbers = #tpu.dot_dimension_numbers<[1], [0], [0], [1], [0, 0, 1, 1], [], []>, transpose_lhs_hint = false} : vector<512x512xbf16>, vector<512x1xbf16>, vector<512x1xf32> -> vector<512x1xf32>
      %le3A_371 = arith.constant 2.700000e+01 : bf16
      %le3A_372 = vector.broadcast %le3A_371 : bf16 to vector<512x512xbf16>
      %le3A_373 = arith.cmpf ole, %convert_element_type3A_100, %le3A_372 : vector<512x512xbf16>
      %jit3A_374 = arith.constant 1.000000e+00 : bf16
      %jit3A_375 = arith.constant 0.000000e+00 : bf16
      %broadcast_in_dim3A_376 = vector.broadcast %jit3A_374 : bf16 to vector<512x512xbf16>
      %broadcast_in_dim3A_377 = vector.broadcast %jit3A_375 : bf16 to vector<512x512xbf16>
      %select_n3A_378 = arith.select %le3A_373, %broadcast_in_dim3A_376, %broadcast_in_dim3A_377 : vector<512x512xi1>, vector<512x512xbf16>
      %dot_general3A_379 = arith.constant dense<0.000000e+00> : vector<512x1xf32>
      %dot_general3A_380 = tpu.matmul %select_n3A_378, %broadcast_in_dim3A_18, %dot_general3A_379 {dimension_numbers = #tpu.dot_dimension_numbers<[1], [0], [0], [1], [0, 0, 1, 1], [], []>, transpose_lhs_hint = false} : vector<512x512xbf16>, vector<512x1xbf16>, vector<512x1xf32> -> vector<512x1xf32>
      %le3A_381 = arith.constant 2.800000e+01 : bf16
      %le3A_382 = vector.broadcast %le3A_381 : bf16 to vector<512x512xbf16>
      %le3A_383 = arith.cmpf ole, %convert_element_type3A_100, %le3A_382 : vector<512x512xbf16>
      %jit3A_384 = arith.constant 1.000000e+00 : bf16
      %jit3A_385 = arith.constant 0.000000e+00 : bf16
      %broadcast_in_dim3A_386 = vector.broadcast %jit3A_384 : bf16 to vector<512x512xbf16>
      %broadcast_in_dim3A_387 = vector.broadcast %jit3A_385 : bf16 to vector<512x512xbf16>
      %select_n3A_388 = arith.select %le3A_383, %broadcast_in_dim3A_386, %broadcast_in_dim3A_387 : vector<512x512xi1>, vector<512x512xbf16>
      %dot_general3A_389 = arith.constant dense<0.000000e+00> : vector<512x1xf32>
      %dot_general3A_390 = tpu.matmul %select_n3A_388, %broadcast_in_dim3A_18, %dot_general3A_389 {dimension_numbers = #tpu.dot_dimension_numbers<[1], [0], [0], [1], [0, 0, 1, 1], [], []>, transpose_lhs_hint = false} : vector<512x512xbf16>, vector<512x1xbf16>, vector<512x1xf32> -> vector<512x1xf32>
      %le3A_391 = arith.constant 2.900000e+01 : bf16
      %le3A_392 = vector.broadcast %le3A_391 : bf16 to vector<512x512xbf16>
      %le3A_393 = arith.cmpf ole, %convert_element_type3A_100, %le3A_392 : vector<512x512xbf16>
      %jit3A_394 = arith.constant 1.000000e+00 : bf16
      %jit3A_395 = arith.constant 0.000000e+00 : bf16
      %broadcast_in_dim3A_396 = vector.broadcast %jit3A_394 : bf16 to vector<512x512xbf16>
      %broadcast_in_dim3A_397 = vector.broadcast %jit3A_395 : bf16 to vector<512x512xbf16>
      %select_n3A_398 = arith.select %le3A_393, %broadcast_in_dim3A_396, %broadcast_in_dim3A_397 : vector<512x512xi1>, vector<512x512xbf16>
      %dot_general3A_399 = arith.constant dense<0.000000e+00> : vector<512x1xf32>
      %dot_general3A_400 = tpu.matmul %select_n3A_398, %broadcast_in_dim3A_18, %dot_general3A_399 {dimension_numbers = #tpu.dot_dimension_numbers<[1], [0], [0], [1], [0, 0, 1, 1], [], []>, transpose_lhs_hint = false} : vector<512x512xbf16>, vector<512x1xbf16>, vector<512x1xf32> -> vector<512x1xf32>
      %le3A_401 = arith.constant 3.000000e+01 : bf16
      %le3A_402 = vector.broadcast %le3A_401 : bf16 to vector<512x512xbf16>
      %le3A_403 = arith.cmpf ole, %convert_element_type3A_100, %le3A_402 : vector<512x512xbf16>
      %jit3A_404 = arith.constant 1.000000e+00 : bf16
      %jit3A_405 = arith.constant 0.000000e+00 : bf16
      %broadcast_in_dim3A_406 = vector.broadcast %jit3A_404 : bf16 to vector<512x512xbf16>
      %broadcast_in_dim3A_407 = vector.broadcast %jit3A_405 : bf16 to vector<512x512xbf16>
      %select_n3A_408 = arith.select %le3A_403, %broadcast_in_dim3A_406, %broadcast_in_dim3A_407 : vector<512x512xi1>, vector<512x512xbf16>
      %dot_general3A_409 = arith.constant dense<0.000000e+00> : vector<512x1xf32>
      %dot_general3A_410 = tpu.matmul %select_n3A_408, %broadcast_in_dim3A_18, %dot_general3A_409 {dimension_numbers = #tpu.dot_dimension_numbers<[1], [0], [0], [1], [0, 0, 1, 1], [], []>, transpose_lhs_hint = false} : vector<512x512xbf16>, vector<512x1xbf16>, vector<512x1xf32> -> vector<512x1xf32>
      %le3A_411 = arith.constant 3.100000e+01 : bf16
      %le3A_412 = vector.broadcast %le3A_411 : bf16 to vector<512x512xbf16>
      %le3A_413 = arith.cmpf ole, %convert_element_type3A_100, %le3A_412 : vector<512x512xbf16>
      %jit3A_414 = arith.constant 1.000000e+00 : bf16
      %jit3A_415 = arith.constant 0.000000e+00 : bf16
      %broadcast_in_dim3A_416 = vector.broadcast %jit3A_414 : bf16 to vector<512x512xbf16>
      %broadcast_in_dim3A_417 = vector.broadcast %jit3A_415 : bf16 to vector<512x512xbf16>
      %select_n3A_418 = arith.select %le3A_413, %broadcast_in_dim3A_416, %broadcast_in_dim3A_417 : vector<512x512xi1>, vector<512x512xbf16>
      %dot_general3A_419 = arith.constant dense<0.000000e+00> : vector<512x1xf32>
      %dot_general3A_420 = tpu.matmul %select_n3A_418, %broadcast_in_dim3A_18, %dot_general3A_419 {dimension_numbers = #tpu.dot_dimension_numbers<[1], [0], [0], [1], [0, 0, 1, 1], [], []>, transpose_lhs_hint = false} : vector<512x512xbf16>, vector<512x1xbf16>, vector<512x1xf32> -> vector<512x1xf32>
      %le3A_421 = arith.constant 3.200000e+01 : bf16
      %le3A_422 = vector.broadcast %le3A_421 : bf16 to vector<512x512xbf16>
      %le3A_423 = arith.cmpf ole, %convert_element_type3A_100, %le3A_422 : vector<512x512xbf16>
      %jit3A_424 = arith.constant 1.000000e+00 : bf16
      %jit3A_425 = arith.constant 0.000000e+00 : bf16
      %broadcast_in_dim3A_426 = vector.broadcast %jit3A_424 : bf16 to vector<512x512xbf16>
      %broadcast_in_dim3A_427 = vector.broadcast %jit3A_425 : bf16 to vector<512x512xbf16>
      %select_n3A_428 = arith.select %le3A_423, %broadcast_in_dim3A_426, %broadcast_in_dim3A_427 : vector<512x512xi1>, vector<512x512xbf16>
      %dot_general3A_429 = arith.constant dense<0.000000e+00> : vector<512x1xf32>
      %dot_general3A_430 = tpu.matmul %select_n3A_428, %broadcast_in_dim3A_18, %dot_general3A_429 {dimension_numbers = #tpu.dot_dimension_numbers<[1], [0], [0], [1], [0, 0, 1, 1], [], []>, transpose_lhs_hint = false} : vector<512x512xbf16>, vector<512x1xbf16>, vector<512x1xf32> -> vector<512x1xf32>
      %le3A_431 = arith.constant 3.300000e+01 : bf16
      %le3A_432 = vector.broadcast %le3A_431 : bf16 to vector<512x512xbf16>
      %le3A_433 = arith.cmpf ole, %convert_element_type3A_100, %le3A_432 : vector<512x512xbf16>
      %jit3A_434 = arith.constant 1.000000e+00 : bf16
      %jit3A_435 = arith.constant 0.000000e+00 : bf16
      %broadcast_in_dim3A_436 = vector.broadcast %jit3A_434 : bf16 to vector<512x512xbf16>
      %broadcast_in_dim3A_437 = vector.broadcast %jit3A_435 : bf16 to vector<512x512xbf16>
      %select_n3A_438 = arith.select %le3A_433, %broadcast_in_dim3A_436, %broadcast_in_dim3A_437 : vector<512x512xi1>, vector<512x512xbf16>
      %dot_general3A_439 = arith.constant dense<0.000000e+00> : vector<512x1xf32>
      %dot_general3A_440 = tpu.matmul %select_n3A_438, %broadcast_in_dim3A_18, %dot_general3A_439 {dimension_numbers = #tpu.dot_dimension_numbers<[1], [0], [0], [1], [0, 0, 1, 1], [], []>, transpose_lhs_hint = false} : vector<512x512xbf16>, vector<512x1xbf16>, vector<512x1xf32> -> vector<512x1xf32>
      %le3A_441 = arith.constant 3.400000e+01 : bf16
      %le3A_442 = vector.broadcast %le3A_441 : bf16 to vector<512x512xbf16>
      %le3A_443 = arith.cmpf ole, %convert_element_type3A_100, %le3A_442 : vector<512x512xbf16>
      %jit3A_444 = arith.constant 1.000000e+00 : bf16
      %jit3A_445 = arith.constant 0.000000e+00 : bf16
      %broadcast_in_dim3A_446 = vector.broadcast %jit3A_444 : bf16 to vector<512x512xbf16>
      %broadcast_in_dim3A_447 = vector.broadcast %jit3A_445 : bf16 to vector<512x512xbf16>
      %select_n3A_448 = arith.select %le3A_443, %broadcast_in_dim3A_446, %broadcast_in_dim3A_447 : vector<512x512xi1>, vector<512x512xbf16>
      %dot_general3A_449 = arith.constant dense<0.000000e+00> : vector<512x1xf32>
      %dot_general3A_450 = tpu.matmul %select_n3A_448, %broadcast_in_dim3A_18, %dot_general3A_449 {dimension_numbers = #tpu.dot_dimension_numbers<[1], [0], [0], [1], [0, 0, 1, 1], [], []>, transpose_lhs_hint = false} : vector<512x512xbf16>, vector<512x1xbf16>, vector<512x1xf32> -> vector<512x1xf32>
      %le3A_451 = arith.constant 3.500000e+01 : bf16
      %le3A_452 = vector.broadcast %le3A_451 : bf16 to vector<512x512xbf16>
      %le3A_453 = arith.cmpf ole, %convert_element_type3A_100, %le3A_452 : vector<512x512xbf16>
      %jit3A_454 = arith.constant 1.000000e+00 : bf16
      %jit3A_455 = arith.constant 0.000000e+00 : bf16
      %broadcast_in_dim3A_456 = vector.broadcast %jit3A_454 : bf16 to vector<512x512xbf16>
      %broadcast_in_dim3A_457 = vector.broadcast %jit3A_455 : bf16 to vector<512x512xbf16>
      %select_n3A_458 = arith.select %le3A_453, %broadcast_in_dim3A_456, %broadcast_in_dim3A_457 : vector<512x512xi1>, vector<512x512xbf16>
      %dot_general3A_459 = arith.constant dense<0.000000e+00> : vector<512x1xf32>
      %dot_general3A_460 = tpu.matmul %select_n3A_458, %broadcast_in_dim3A_18, %dot_general3A_459 {dimension_numbers = #tpu.dot_dimension_numbers<[1], [0], [0], [1], [0, 0, 1, 1], [], []>, transpose_lhs_hint = false} : vector<512x512xbf16>, vector<512x1xbf16>, vector<512x1xf32> -> vector<512x1xf32>
      %le3A_461 = arith.constant 3.600000e+01 : bf16
      %le3A_462 = vector.broadcast %le3A_461 : bf16 to vector<512x512xbf16>
      %le3A_463 = arith.cmpf ole, %convert_element_type3A_100, %le3A_462 : vector<512x512xbf16>
      %jit3A_464 = arith.constant 1.000000e+00 : bf16
      %jit3A_465 = arith.constant 0.000000e+00 : bf16
      %broadcast_in_dim3A_466 = vector.broadcast %jit3A_464 : bf16 to vector<512x512xbf16>
      %broadcast_in_dim3A_467 = vector.broadcast %jit3A_465 : bf16 to vector<512x512xbf16>
      %select_n3A_468 = arith.select %le3A_463, %broadcast_in_dim3A_466, %broadcast_in_dim3A_467 : vector<512x512xi1>, vector<512x512xbf16>
      %dot_general3A_469 = arith.constant dense<0.000000e+00> : vector<512x1xf32>
      %dot_general3A_470 = tpu.matmul %select_n3A_468, %broadcast_in_dim3A_18, %dot_general3A_469 {dimension_numbers = #tpu.dot_dimension_numbers<[1], [0], [0], [1], [0, 0, 1, 1], [], []>, transpose_lhs_hint = false} : vector<512x512xbf16>, vector<512x1xbf16>, vector<512x1xf32> -> vector<512x1xf32>
      %le3A_471 = arith.constant 3.700000e+01 : bf16
      %le3A_472 = vector.broadcast %le3A_471 : bf16 to vector<512x512xbf16>
      %le3A_473 = arith.cmpf ole, %convert_element_type3A_100, %le3A_472 : vector<512x512xbf16>
      %jit3A_474 = arith.constant 1.000000e+00 : bf16
      %jit3A_475 = arith.constant 0.000000e+00 : bf16
      %broadcast_in_dim3A_476 = vector.broadcast %jit3A_474 : bf16 to vector<512x512xbf16>
      %broadcast_in_dim3A_477 = vector.broadcast %jit3A_475 : bf16 to vector<512x512xbf16>
      %select_n3A_478 = arith.select %le3A_473, %broadcast_in_dim3A_476, %broadcast_in_dim3A_477 : vector<512x512xi1>, vector<512x512xbf16>
      %dot_general3A_479 = arith.constant dense<0.000000e+00> : vector<512x1xf32>
      %dot_general3A_480 = tpu.matmul %select_n3A_478, %broadcast_in_dim3A_18, %dot_general3A_479 {dimension_numbers = #tpu.dot_dimension_numbers<[1], [0], [0], [1], [0, 0, 1, 1], [], []>, transpose_lhs_hint = false} : vector<512x512xbf16>, vector<512x1xbf16>, vector<512x1xf32> -> vector<512x1xf32>
      %le3A_481 = arith.constant 3.800000e+01 : bf16
      %le3A_482 = vector.broadcast %le3A_481 : bf16 to vector<512x512xbf16>
      %le3A_483 = arith.cmpf ole, %convert_element_type3A_100, %le3A_482 : vector<512x512xbf16>
      %jit3A_484 = arith.constant 1.000000e+00 : bf16
      %jit3A_485 = arith.constant 0.000000e+00 : bf16
      %broadcast_in_dim3A_486 = vector.broadcast %jit3A_484 : bf16 to vector<512x512xbf16>
      %broadcast_in_dim3A_487 = vector.broadcast %jit3A_485 : bf16 to vector<512x512xbf16>
      %select_n3A_488 = arith.select %le3A_483, %broadcast_in_dim3A_486, %broadcast_in_dim3A_487 : vector<512x512xi1>, vector<512x512xbf16>
      %dot_general3A_489 = arith.constant dense<0.000000e+00> : vector<512x1xf32>
      %dot_general3A_490 = tpu.matmul %select_n3A_488, %broadcast_in_dim3A_18, %dot_general3A_489 {dimension_numbers = #tpu.dot_dimension_numbers<[1], [0], [0], [1], [0, 0, 1, 1], [], []>, transpose_lhs_hint = false} : vector<512x512xbf16>, vector<512x1xbf16>, vector<512x1xf32> -> vector<512x1xf32>
      %le3A_491 = arith.constant 3.900000e+01 : bf16
      %le3A_492 = vector.broadcast %le3A_491 : bf16 to vector<512x512xbf16>
      %le3A_493 = arith.cmpf ole, %convert_element_type3A_100, %le3A_492 : vector<512x512xbf16>
      %jit3A_494 = arith.constant 1.000000e+00 : bf16
      %jit3A_495 = arith.constant 0.000000e+00 : bf16
      %broadcast_in_dim3A_496 = vector.broadcast %jit3A_494 : bf16 to vector<512x512xbf16>
      %broadcast_in_dim3A_497 = vector.broadcast %jit3A_495 : bf16 to vector<512x512xbf16>
      %select_n3A_498 = arith.select %le3A_493, %broadcast_in_dim3A_496, %broadcast_in_dim3A_497 : vector<512x512xi1>, vector<512x512xbf16>
      %dot_general3A_499 = arith.constant dense<0.000000e+00> : vector<512x1xf32>
      %dot_general3A_500 = tpu.matmul %select_n3A_498, %broadcast_in_dim3A_18, %dot_general3A_499 {dimension_numbers = #tpu.dot_dimension_numbers<[1], [0], [0], [1], [0, 0, 1, 1], [], []>, transpose_lhs_hint = false} : vector<512x512xbf16>, vector<512x1xbf16>, vector<512x1xf32> -> vector<512x1xf32>
      %le3A_501 = arith.constant 4.000000e+01 : bf16
      %le3A_502 = vector.broadcast %le3A_501 : bf16 to vector<512x512xbf16>
      %le3A_503 = arith.cmpf ole, %convert_element_type3A_100, %le3A_502 : vector<512x512xbf16>
      %jit3A_504 = arith.constant 1.000000e+00 : bf16
      %jit3A_505 = arith.constant 0.000000e+00 : bf16
      %broadcast_in_dim3A_506 = vector.broadcast %jit3A_504 : bf16 to vector<512x512xbf16>
      %broadcast_in_dim3A_507 = vector.broadcast %jit3A_505 : bf16 to vector<512x512xbf16>
      %select_n3A_508 = arith.select %le3A_503, %broadcast_in_dim3A_506, %broadcast_in_dim3A_507 : vector<512x512xi1>, vector<512x512xbf16>
      %dot_general3A_509 = arith.constant dense<0.000000e+00> : vector<512x1xf32>
      %dot_general3A_510 = tpu.matmul %select_n3A_508, %broadcast_in_dim3A_18, %dot_general3A_509 {dimension_numbers = #tpu.dot_dimension_numbers<[1], [0], [0], [1], [0, 0, 1, 1], [], []>, transpose_lhs_hint = false} : vector<512x512xbf16>, vector<512x1xbf16>, vector<512x1xf32> -> vector<512x1xf32>
      %le3A_511 = arith.constant 4.100000e+01 : bf16
      %le3A_512 = vector.broadcast %le3A_511 : bf16 to vector<512x512xbf16>
      %le3A_513 = arith.cmpf ole, %convert_element_type3A_100, %le3A_512 : vector<512x512xbf16>
      %jit3A_514 = arith.constant 1.000000e+00 : bf16
      %jit3A_515 = arith.constant 0.000000e+00 : bf16
      %broadcast_in_dim3A_516 = vector.broadcast %jit3A_514 : bf16 to vector<512x512xbf16>
      %broadcast_in_dim3A_517 = vector.broadcast %jit3A_515 : bf16 to vector<512x512xbf16>
      %select_n3A_518 = arith.select %le3A_513, %broadcast_in_dim3A_516, %broadcast_in_dim3A_517 : vector<512x512xi1>, vector<512x512xbf16>
      %dot_general3A_519 = arith.constant dense<0.000000e+00> : vector<512x1xf32>
      %dot_general3A_520 = tpu.matmul %select_n3A_518, %broadcast_in_dim3A_18, %dot_general3A_519 {dimension_numbers = #tpu.dot_dimension_numbers<[1], [0], [0], [1], [0, 0, 1, 1], [], []>, transpose_lhs_hint = false} : vector<512x512xbf16>, vector<512x1xbf16>, vector<512x1xf32> -> vector<512x1xf32>
      %le3A_521 = arith.constant 4.200000e+01 : bf16
      %le3A_522 = vector.broadcast %le3A_521 : bf16 to vector<512x512xbf16>
      %le3A_523 = arith.cmpf ole, %convert_element_type3A_100, %le3A_522 : vector<512x512xbf16>
      %jit3A_524 = arith.constant 1.000000e+00 : bf16
      %jit3A_525 = arith.constant 0.000000e+00 : bf16
      %broadcast_in_dim3A_526 = vector.broadcast %jit3A_524 : bf16 to vector<512x512xbf16>
      %broadcast_in_dim3A_527 = vector.broadcast %jit3A_525 : bf16 to vector<512x512xbf16>
      %select_n3A_528 = arith.select %le3A_523, %broadcast_in_dim3A_526, %broadcast_in_dim3A_527 : vector<512x512xi1>, vector<512x512xbf16>
      %dot_general3A_529 = arith.constant dense<0.000000e+00> : vector<512x1xf32>
      %dot_general3A_530 = tpu.matmul %select_n3A_528, %broadcast_in_dim3A_18, %dot_general3A_529 {dimension_numbers = #tpu.dot_dimension_numbers<[1], [0], [0], [1], [0, 0, 1, 1], [], []>, transpose_lhs_hint = false} : vector<512x512xbf16>, vector<512x1xbf16>, vector<512x1xf32> -> vector<512x1xf32>
      %le3A_531 = arith.constant 4.300000e+01 : bf16
      %le3A_532 = vector.broadcast %le3A_531 : bf16 to vector<512x512xbf16>
      %le3A_533 = arith.cmpf ole, %convert_element_type3A_100, %le3A_532 : vector<512x512xbf16>
      %jit3A_534 = arith.constant 1.000000e+00 : bf16
      %jit3A_535 = arith.constant 0.000000e+00 : bf16
      %broadcast_in_dim3A_536 = vector.broadcast %jit3A_534 : bf16 to vector<512x512xbf16>
      %broadcast_in_dim3A_537 = vector.broadcast %jit3A_535 : bf16 to vector<512x512xbf16>
      %select_n3A_538 = arith.select %le3A_533, %broadcast_in_dim3A_536, %broadcast_in_dim3A_537 : vector<512x512xi1>, vector<512x512xbf16>
      %dot_general3A_539 = arith.constant dense<0.000000e+00> : vector<512x1xf32>
      %dot_general3A_540 = tpu.matmul %select_n3A_538, %broadcast_in_dim3A_18, %dot_general3A_539 {dimension_numbers = #tpu.dot_dimension_numbers<[1], [0], [0], [1], [0, 0, 1, 1], [], []>, transpose_lhs_hint = false} : vector<512x512xbf16>, vector<512x1xbf16>, vector<512x1xf32> -> vector<512x1xf32>
      %le3A_541 = arith.constant 4.400000e+01 : bf16
      %le3A_542 = vector.broadcast %le3A_541 : bf16 to vector<512x512xbf16>
      %le3A_543 = arith.cmpf ole, %convert_element_type3A_100, %le3A_542 : vector<512x512xbf16>
      %jit3A_544 = arith.constant 1.000000e+00 : bf16
      %jit3A_545 = arith.constant 0.000000e+00 : bf16
      %broadcast_in_dim3A_546 = vector.broadcast %jit3A_544 : bf16 to vector<512x512xbf16>
      %broadcast_in_dim3A_547 = vector.broadcast %jit3A_545 : bf16 to vector<512x512xbf16>
      %select_n3A_548 = arith.select %le3A_543, %broadcast_in_dim3A_546, %broadcast_in_dim3A_547 : vector<512x512xi1>, vector<512x512xbf16>
      %dot_general3A_549 = arith.constant dense<0.000000e+00> : vector<512x1xf32>
      %dot_general3A_550 = tpu.matmul %select_n3A_548, %broadcast_in_dim3A_18, %dot_general3A_549 {dimension_numbers = #tpu.dot_dimension_numbers<[1], [0], [0], [1], [0, 0, 1, 1], [], []>, transpose_lhs_hint = false} : vector<512x512xbf16>, vector<512x1xbf16>, vector<512x1xf32> -> vector<512x1xf32>
      %le3A_551 = arith.constant 4.500000e+01 : bf16
      %le3A_552 = vector.broadcast %le3A_551 : bf16 to vector<512x512xbf16>
      %le3A_553 = arith.cmpf ole, %convert_element_type3A_100, %le3A_552 : vector<512x512xbf16>
      %jit3A_554 = arith.constant 1.000000e+00 : bf16
      %jit3A_555 = arith.constant 0.000000e+00 : bf16
      %broadcast_in_dim3A_556 = vector.broadcast %jit3A_554 : bf16 to vector<512x512xbf16>
      %broadcast_in_dim3A_557 = vector.broadcast %jit3A_555 : bf16 to vector<512x512xbf16>
      %select_n3A_558 = arith.select %le3A_553, %broadcast_in_dim3A_556, %broadcast_in_dim3A_557 : vector<512x512xi1>, vector<512x512xbf16>
      %dot_general3A_559 = arith.constant dense<0.000000e+00> : vector<512x1xf32>
      %dot_general3A_560 = tpu.matmul %select_n3A_558, %broadcast_in_dim3A_18, %dot_general3A_559 {dimension_numbers = #tpu.dot_dimension_numbers<[1], [0], [0], [1], [0, 0, 1, 1], [], []>, transpose_lhs_hint = false} : vector<512x512xbf16>, vector<512x1xbf16>, vector<512x1xf32> -> vector<512x1xf32>
      %le3A_561 = arith.constant 4.600000e+01 : bf16
      %le3A_562 = vector.broadcast %le3A_561 : bf16 to vector<512x512xbf16>
      %le3A_563 = arith.cmpf ole, %convert_element_type3A_100, %le3A_562 : vector<512x512xbf16>
      %jit3A_564 = arith.constant 1.000000e+00 : bf16
      %jit3A_565 = arith.constant 0.000000e+00 : bf16
      %broadcast_in_dim3A_566 = vector.broadcast %jit3A_564 : bf16 to vector<512x512xbf16>
      %broadcast_in_dim3A_567 = vector.broadcast %jit3A_565 : bf16 to vector<512x512xbf16>
      %select_n3A_568 = arith.select %le3A_563, %broadcast_in_dim3A_566, %broadcast_in_dim3A_567 : vector<512x512xi1>, vector<512x512xbf16>
      %dot_general3A_569 = arith.constant dense<0.000000e+00> : vector<512x1xf32>
      %dot_general3A_570 = tpu.matmul %select_n3A_568, %broadcast_in_dim3A_18, %dot_general3A_569 {dimension_numbers = #tpu.dot_dimension_numbers<[1], [0], [0], [1], [0, 0, 1, 1], [], []>, transpose_lhs_hint = false} : vector<512x512xbf16>, vector<512x1xbf16>, vector<512x1xf32> -> vector<512x1xf32>
      %le3A_571 = arith.constant 4.700000e+01 : bf16
      %le3A_572 = vector.broadcast %le3A_571 : bf16 to vector<512x512xbf16>
      %le3A_573 = arith.cmpf ole, %convert_element_type3A_100, %le3A_572 : vector<512x512xbf16>
      %jit3A_574 = arith.constant 1.000000e+00 : bf16
      %jit3A_575 = arith.constant 0.000000e+00 : bf16
      %broadcast_in_dim3A_576 = vector.broadcast %jit3A_574 : bf16 to vector<512x512xbf16>
      %broadcast_in_dim3A_577 = vector.broadcast %jit3A_575 : bf16 to vector<512x512xbf16>
      %select_n3A_578 = arith.select %le3A_573, %broadcast_in_dim3A_576, %broadcast_in_dim3A_577 : vector<512x512xi1>, vector<512x512xbf16>
      %dot_general3A_579 = arith.constant dense<0.000000e+00> : vector<512x1xf32>
      %dot_general3A_580 = tpu.matmul %select_n3A_578, %broadcast_in_dim3A_18, %dot_general3A_579 {dimension_numbers = #tpu.dot_dimension_numbers<[1], [0], [0], [1], [0, 0, 1, 1], [], []>, transpose_lhs_hint = false} : vector<512x512xbf16>, vector<512x1xbf16>, vector<512x1xf32> -> vector<512x1xf32>
      %le3A_581 = arith.constant 4.800000e+01 : bf16
      %le3A_582 = vector.broadcast %le3A_581 : bf16 to vector<512x512xbf16>
      %le3A_583 = arith.cmpf ole, %convert_element_type3A_100, %le3A_582 : vector<512x512xbf16>
      %jit3A_584 = arith.constant 1.000000e+00 : bf16
      %jit3A_585 = arith.constant 0.000000e+00 : bf16
      %broadcast_in_dim3A_586 = vector.broadcast %jit3A_584 : bf16 to vector<512x512xbf16>
      %broadcast_in_dim3A_587 = vector.broadcast %jit3A_585 : bf16 to vector<512x512xbf16>
      %select_n3A_588 = arith.select %le3A_583, %broadcast_in_dim3A_586, %broadcast_in_dim3A_587 : vector<512x512xi1>, vector<512x512xbf16>
      %dot_general3A_589 = arith.constant dense<0.000000e+00> : vector<512x1xf32>
      %dot_general3A_590 = tpu.matmul %select_n3A_588, %broadcast_in_dim3A_18, %dot_general3A_589 {dimension_numbers = #tpu.dot_dimension_numbers<[1], [0], [0], [1], [0, 0, 1, 1], [], []>, transpose_lhs_hint = false} : vector<512x512xbf16>, vector<512x1xbf16>, vector<512x1xf32> -> vector<512x1xf32>
      %le3A_591 = arith.constant 4.900000e+01 : bf16
      %le3A_592 = vector.broadcast %le3A_591 : bf16 to vector<512x512xbf16>
      %le3A_593 = arith.cmpf ole, %convert_element_type3A_100, %le3A_592 : vector<512x512xbf16>
      %jit3A_594 = arith.constant 1.000000e+00 : bf16
      %jit3A_595 = arith.constant 0.000000e+00 : bf16
      %broadcast_in_dim3A_596 = vector.broadcast %jit3A_594 : bf16 to vector<512x512xbf16>
      %broadcast_in_dim3A_597 = vector.broadcast %jit3A_595 : bf16 to vector<512x512xbf16>
      %select_n3A_598 = arith.select %le3A_593, %broadcast_in_dim3A_596, %broadcast_in_dim3A_597 : vector<512x512xi1>, vector<512x512xbf16>
      %dot_general3A_599 = arith.constant dense<0.000000e+00> : vector<512x1xf32>
      %dot_general3A_600 = tpu.matmul %select_n3A_598, %broadcast_in_dim3A_18, %dot_general3A_599 {dimension_numbers = #tpu.dot_dimension_numbers<[1], [0], [0], [1], [0, 0, 1, 1], [], []>, transpose_lhs_hint = false} : vector<512x512xbf16>, vector<512x1xbf16>, vector<512x1xf32> -> vector<512x1xf32>
      %le3A_601 = arith.constant 5.000000e+01 : bf16
      %le3A_602 = vector.broadcast %le3A_601 : bf16 to vector<512x512xbf16>
      %le3A_603 = arith.cmpf ole, %convert_element_type3A_100, %le3A_602 : vector<512x512xbf16>
      %jit3A_604 = arith.constant 1.000000e+00 : bf16
      %jit3A_605 = arith.constant 0.000000e+00 : bf16
      %broadcast_in_dim3A_606 = vector.broadcast %jit3A_604 : bf16 to vector<512x512xbf16>
      %broadcast_in_dim3A_607 = vector.broadcast %jit3A_605 : bf16 to vector<512x512xbf16>
      %select_n3A_608 = arith.select %le3A_603, %broadcast_in_dim3A_606, %broadcast_in_dim3A_607 : vector<512x512xi1>, vector<512x512xbf16>
      %dot_general3A_609 = arith.constant dense<0.000000e+00> : vector<512x1xf32>
      %dot_general3A_610 = tpu.matmul %select_n3A_608, %broadcast_in_dim3A_18, %dot_general3A_609 {dimension_numbers = #tpu.dot_dimension_numbers<[1], [0], [0], [1], [0, 0, 1, 1], [], []>, transpose_lhs_hint = false} : vector<512x512xbf16>, vector<512x1xbf16>, vector<512x1xf32> -> vector<512x1xf32>
      %le3A_611 = arith.constant 5.100000e+01 : bf16
      %le3A_612 = vector.broadcast %le3A_611 : bf16 to vector<512x512xbf16>
      %le3A_613 = arith.cmpf ole, %convert_element_type3A_100, %le3A_612 : vector<512x512xbf16>
      %jit3A_614 = arith.constant 1.000000e+00 : bf16
      %jit3A_615 = arith.constant 0.000000e+00 : bf16
      %broadcast_in_dim3A_616 = vector.broadcast %jit3A_614 : bf16 to vector<512x512xbf16>
      %broadcast_in_dim3A_617 = vector.broadcast %jit3A_615 : bf16 to vector<512x512xbf16>
      %select_n3A_618 = arith.select %le3A_613, %broadcast_in_dim3A_616, %broadcast_in_dim3A_617 : vector<512x512xi1>, vector<512x512xbf16>
      %dot_general3A_619 = arith.constant dense<0.000000e+00> : vector<512x1xf32>
      %dot_general3A_620 = tpu.matmul %select_n3A_618, %broadcast_in_dim3A_18, %dot_general3A_619 {dimension_numbers = #tpu.dot_dimension_numbers<[1], [0], [0], [1], [0, 0, 1, 1], [], []>, transpose_lhs_hint = false} : vector<512x512xbf16>, vector<512x1xbf16>, vector<512x1xf32> -> vector<512x1xf32>
      %le3A_621 = arith.constant 5.200000e+01 : bf16
      %le3A_622 = vector.broadcast %le3A_621 : bf16 to vector<512x512xbf16>
      %le3A_623 = arith.cmpf ole, %convert_element_type3A_100, %le3A_622 : vector<512x512xbf16>
      %jit3A_624 = arith.constant 1.000000e+00 : bf16
      %jit3A_625 = arith.constant 0.000000e+00 : bf16
      %broadcast_in_dim3A_626 = vector.broadcast %jit3A_624 : bf16 to vector<512x512xbf16>
      %broadcast_in_dim3A_627 = vector.broadcast %jit3A_625 : bf16 to vector<512x512xbf16>
      %select_n3A_628 = arith.select %le3A_623, %broadcast_in_dim3A_626, %broadcast_in_dim3A_627 : vector<512x512xi1>, vector<512x512xbf16>
      %dot_general3A_629 = arith.constant dense<0.000000e+00> : vector<512x1xf32>
      %dot_general3A_630 = tpu.matmul %select_n3A_628, %broadcast_in_dim3A_18, %dot_general3A_629 {dimension_numbers = #tpu.dot_dimension_numbers<[1], [0], [0], [1], [0, 0, 1, 1], [], []>, transpose_lhs_hint = false} : vector<512x512xbf16>, vector<512x1xbf16>, vector<512x1xf32> -> vector<512x1xf32>
      %le3A_631 = arith.constant 5.300000e+01 : bf16
      %le3A_632 = vector.broadcast %le3A_631 : bf16 to vector<512x512xbf16>
      %le3A_633 = arith.cmpf ole, %convert_element_type3A_100, %le3A_632 : vector<512x512xbf16>
      %jit3A_634 = arith.constant 1.000000e+00 : bf16
      %jit3A_635 = arith.constant 0.000000e+00 : bf16
      %broadcast_in_dim3A_636 = vector.broadcast %jit3A_634 : bf16 to vector<512x512xbf16>
      %broadcast_in_dim3A_637 = vector.broadcast %jit3A_635 : bf16 to vector<512x512xbf16>
      %select_n3A_638 = arith.select %le3A_633, %broadcast_in_dim3A_636, %broadcast_in_dim3A_637 : vector<512x512xi1>, vector<512x512xbf16>
      %dot_general3A_639 = arith.constant dense<0.000000e+00> : vector<512x1xf32>
      %dot_general3A_640 = tpu.matmul %select_n3A_638, %broadcast_in_dim3A_18, %dot_general3A_639 {dimension_numbers = #tpu.dot_dimension_numbers<[1], [0], [0], [1], [0, 0, 1, 1], [], []>, transpose_lhs_hint = false} : vector<512x512xbf16>, vector<512x1xbf16>, vector<512x1xf32> -> vector<512x1xf32>
      %le3A_641 = arith.constant 5.400000e+01 : bf16
      %le3A_642 = vector.broadcast %le3A_641 : bf16 to vector<512x512xbf16>
      %le3A_643 = arith.cmpf ole, %convert_element_type3A_100, %le3A_642 : vector<512x512xbf16>
      %jit3A_644 = arith.constant 1.000000e+00 : bf16
      %jit3A_645 = arith.constant 0.000000e+00 : bf16
      %broadcast_in_dim3A_646 = vector.broadcast %jit3A_644 : bf16 to vector<512x512xbf16>
      %broadcast_in_dim3A_647 = vector.broadcast %jit3A_645 : bf16 to vector<512x512xbf16>
      %select_n3A_648 = arith.select %le3A_643, %broadcast_in_dim3A_646, %broadcast_in_dim3A_647 : vector<512x512xi1>, vector<512x512xbf16>
      %dot_general3A_649 = arith.constant dense<0.000000e+00> : vector<512x1xf32>
      %dot_general3A_650 = tpu.matmul %select_n3A_648, %broadcast_in_dim3A_18, %dot_general3A_649 {dimension_numbers = #tpu.dot_dimension_numbers<[1], [0], [0], [1], [0, 0, 1, 1], [], []>, transpose_lhs_hint = false} : vector<512x512xbf16>, vector<512x1xbf16>, vector<512x1xf32> -> vector<512x1xf32>
      %le3A_651 = arith.constant 5.500000e+01 : bf16
      %le3A_652 = vector.broadcast %le3A_651 : bf16 to vector<512x512xbf16>
      %le3A_653 = arith.cmpf ole, %convert_element_type3A_100, %le3A_652 : vector<512x512xbf16>
      %jit3A_654 = arith.constant 1.000000e+00 : bf16
      %jit3A_655 = arith.constant 0.000000e+00 : bf16
      %broadcast_in_dim3A_656 = vector.broadcast %jit3A_654 : bf16 to vector<512x512xbf16>
      %broadcast_in_dim3A_657 = vector.broadcast %jit3A_655 : bf16 to vector<512x512xbf16>
      %select_n3A_658 = arith.select %le3A_653, %broadcast_in_dim3A_656, %broadcast_in_dim3A_657 : vector<512x512xi1>, vector<512x512xbf16>
      %dot_general3A_659 = arith.constant dense<0.000000e+00> : vector<512x1xf32>
      %dot_general3A_660 = tpu.matmul %select_n3A_658, %broadcast_in_dim3A_18, %dot_general3A_659 {dimension_numbers = #tpu.dot_dimension_numbers<[1], [0], [0], [1], [0, 0, 1, 1], [], []>, transpose_lhs_hint = false} : vector<512x512xbf16>, vector<512x1xbf16>, vector<512x1xf32> -> vector<512x1xf32>
      %le3A_661 = arith.constant 5.600000e+01 : bf16
      %le3A_662 = vector.broadcast %le3A_661 : bf16 to vector<512x512xbf16>
      %le3A_663 = arith.cmpf ole, %convert_element_type3A_100, %le3A_662 : vector<512x512xbf16>
      %jit3A_664 = arith.constant 1.000000e+00 : bf16
      %jit3A_665 = arith.constant 0.000000e+00 : bf16
      %broadcast_in_dim3A_666 = vector.broadcast %jit3A_664 : bf16 to vector<512x512xbf16>
      %broadcast_in_dim3A_667 = vector.broadcast %jit3A_665 : bf16 to vector<512x512xbf16>
      %select_n3A_668 = arith.select %le3A_663, %broadcast_in_dim3A_666, %broadcast_in_dim3A_667 : vector<512x512xi1>, vector<512x512xbf16>
      %dot_general3A_669 = arith.constant dense<0.000000e+00> : vector<512x1xf32>
      %dot_general3A_670 = tpu.matmul %select_n3A_668, %broadcast_in_dim3A_18, %dot_general3A_669 {dimension_numbers = #tpu.dot_dimension_numbers<[1], [0], [0], [1], [0, 0, 1, 1], [], []>, transpose_lhs_hint = false} : vector<512x512xbf16>, vector<512x1xbf16>, vector<512x1xf32> -> vector<512x1xf32>
      %le3A_671 = arith.constant 5.700000e+01 : bf16
      %le3A_672 = vector.broadcast %le3A_671 : bf16 to vector<512x512xbf16>
      %le3A_673 = arith.cmpf ole, %convert_element_type3A_100, %le3A_672 : vector<512x512xbf16>
      %jit3A_674 = arith.constant 1.000000e+00 : bf16
      %jit3A_675 = arith.constant 0.000000e+00 : bf16
      %broadcast_in_dim3A_676 = vector.broadcast %jit3A_674 : bf16 to vector<512x512xbf16>
      %broadcast_in_dim3A_677 = vector.broadcast %jit3A_675 : bf16 to vector<512x512xbf16>
      %select_n3A_678 = arith.select %le3A_673, %broadcast_in_dim3A_676, %broadcast_in_dim3A_677 : vector<512x512xi1>, vector<512x512xbf16>
      %dot_general3A_679 = arith.constant dense<0.000000e+00> : vector<512x1xf32>
      %dot_general3A_680 = tpu.matmul %select_n3A_678, %broadcast_in_dim3A_18, %dot_general3A_679 {dimension_numbers = #tpu.dot_dimension_numbers<[1], [0], [0], [1], [0, 0, 1, 1], [], []>, transpose_lhs_hint = false} : vector<512x512xbf16>, vector<512x1xbf16>, vector<512x1xf32> -> vector<512x1xf32>
      %le3A_681 = arith.constant 5.800000e+01 : bf16
      %le3A_682 = vector.broadcast %le3A_681 : bf16 to vector<512x512xbf16>
      %le3A_683 = arith.cmpf ole, %convert_element_type3A_100, %le3A_682 : vector<512x512xbf16>
      %jit3A_684 = arith.constant 1.000000e+00 : bf16
      %jit3A_685 = arith.constant 0.000000e+00 : bf16
      %broadcast_in_dim3A_686 = vector.broadcast %jit3A_684 : bf16 to vector<512x512xbf16>
      %broadcast_in_dim3A_687 = vector.broadcast %jit3A_685 : bf16 to vector<512x512xbf16>
      %select_n3A_688 = arith.select %le3A_683, %broadcast_in_dim3A_686, %broadcast_in_dim3A_687 : vector<512x512xi1>, vector<512x512xbf16>
      %dot_general3A_689 = arith.constant dense<0.000000e+00> : vector<512x1xf32>
      %dot_general3A_690 = tpu.matmul %select_n3A_688, %broadcast_in_dim3A_18, %dot_general3A_689 {dimension_numbers = #tpu.dot_dimension_numbers<[1], [0], [0], [1], [0, 0, 1, 1], [], []>, transpose_lhs_hint = false} : vector<512x512xbf16>, vector<512x1xbf16>, vector<512x1xf32> -> vector<512x1xf32>
      %le3A_691 = arith.constant 5.900000e+01 : bf16
      %le3A_692 = vector.broadcast %le3A_691 : bf16 to vector<512x512xbf16>
      %le3A_693 = arith.cmpf ole, %convert_element_type3A_100, %le3A_692 : vector<512x512xbf16>
      %jit3A_694 = arith.constant 1.000000e+00 : bf16
      %jit3A_695 = arith.constant 0.000000e+00 : bf16
      %broadcast_in_dim3A_696 = vector.broadcast %jit3A_694 : bf16 to vector<512x512xbf16>
      %broadcast_in_dim3A_697 = vector.broadcast %jit3A_695 : bf16 to vector<512x512xbf16>
      %select_n3A_698 = arith.select %le3A_693, %broadcast_in_dim3A_696, %broadcast_in_dim3A_697 : vector<512x512xi1>, vector<512x512xbf16>
      %dot_general3A_699 = arith.constant dense<0.000000e+00> : vector<512x1xf32>
      %dot_general3A_700 = tpu.matmul %select_n3A_698, %broadcast_in_dim3A_18, %dot_general3A_699 {dimension_numbers = #tpu.dot_dimension_numbers<[1], [0], [0], [1], [0, 0, 1, 1], [], []>, transpose_lhs_hint = false} : vector<512x512xbf16>, vector<512x1xbf16>, vector<512x1xf32> -> vector<512x1xf32>
      %le3A_701 = arith.constant 6.000000e+01 : bf16
      %le3A_702 = vector.broadcast %le3A_701 : bf16 to vector<512x512xbf16>
      %le3A_703 = arith.cmpf ole, %convert_element_type3A_100, %le3A_702 : vector<512x512xbf16>
      %jit3A_704 = arith.constant 1.000000e+00 : bf16
      %jit3A_705 = arith.constant 0.000000e+00 : bf16
      %broadcast_in_dim3A_706 = vector.broadcast %jit3A_704 : bf16 to vector<512x512xbf16>
      %broadcast_in_dim3A_707 = vector.broadcast %jit3A_705 : bf16 to vector<512x512xbf16>
      %select_n3A_708 = arith.select %le3A_703, %broadcast_in_dim3A_706, %broadcast_in_dim3A_707 : vector<512x512xi1>, vector<512x512xbf16>
      %dot_general3A_709 = arith.constant dense<0.000000e+00> : vector<512x1xf32>
      %dot_general3A_710 = tpu.matmul %select_n3A_708, %broadcast_in_dim3A_18, %dot_general3A_709 {dimension_numbers = #tpu.dot_dimension_numbers<[1], [0], [0], [1], [0, 0, 1, 1], [], []>, transpose_lhs_hint = false} : vector<512x512xbf16>, vector<512x1xbf16>, vector<512x1xf32> -> vector<512x1xf32>
      %le3A_711 = arith.constant 6.100000e+01 : bf16
      %le3A_712 = vector.broadcast %le3A_711 : bf16 to vector<512x512xbf16>
      %le3A_713 = arith.cmpf ole, %convert_element_type3A_100, %le3A_712 : vector<512x512xbf16>
      %jit3A_714 = arith.constant 1.000000e+00 : bf16
      %jit3A_715 = arith.constant 0.000000e+00 : bf16
      %broadcast_in_dim3A_716 = vector.broadcast %jit3A_714 : bf16 to vector<512x512xbf16>
      %broadcast_in_dim3A_717 = vector.broadcast %jit3A_715 : bf16 to vector<512x512xbf16>
      %select_n3A_718 = arith.select %le3A_713, %broadcast_in_dim3A_716, %broadcast_in_dim3A_717 : vector<512x512xi1>, vector<512x512xbf16>
      %dot_general3A_719 = arith.constant dense<0.000000e+00> : vector<512x1xf32>
      %dot_general3A_720 = tpu.matmul %select_n3A_718, %broadcast_in_dim3A_18, %dot_general3A_719 {dimension_numbers = #tpu.dot_dimension_numbers<[1], [0], [0], [1], [0, 0, 1, 1], [], []>, transpose_lhs_hint = false} : vector<512x512xbf16>, vector<512x1xbf16>, vector<512x1xf32> -> vector<512x1xf32>
      %le3A_721 = arith.constant 6.200000e+01 : bf16
      %le3A_722 = vector.broadcast %le3A_721 : bf16 to vector<512x512xbf16>
      %le3A_723 = arith.cmpf ole, %convert_element_type3A_100, %le3A_722 : vector<512x512xbf16>
      %jit3A_724 = arith.constant 1.000000e+00 : bf16
      %jit3A_725 = arith.constant 0.000000e+00 : bf16
      %broadcast_in_dim3A_726 = vector.broadcast %jit3A_724 : bf16 to vector<512x512xbf16>
      %broadcast_in_dim3A_727 = vector.broadcast %jit3A_725 : bf16 to vector<512x512xbf16>
      %select_n3A_728 = arith.select %le3A_723, %broadcast_in_dim3A_726, %broadcast_in_dim3A_727 : vector<512x512xi1>, vector<512x512xbf16>
      %dot_general3A_729 = arith.constant dense<0.000000e+00> : vector<512x1xf32>
      %dot_general3A_730 = tpu.matmul %select_n3A_728, %broadcast_in_dim3A_18, %dot_general3A_729 {dimension_numbers = #tpu.dot_dimension_numbers<[1], [0], [0], [1], [0, 0, 1, 1], [], []>, transpose_lhs_hint = false} : vector<512x512xbf16>, vector<512x1xbf16>, vector<512x1xf32> -> vector<512x1xf32>
      %le3A_731 = arith.constant 6.300000e+01 : bf16
      %le3A_732 = vector.broadcast %le3A_731 : bf16 to vector<512x512xbf16>
      %le3A_733 = arith.cmpf ole, %convert_element_type3A_100, %le3A_732 : vector<512x512xbf16>
      %jit3A_734 = arith.constant 1.000000e+00 : bf16
      %jit3A_735 = arith.constant 0.000000e+00 : bf16
      %broadcast_in_dim3A_736 = vector.broadcast %jit3A_734 : bf16 to vector<512x512xbf16>
      %broadcast_in_dim3A_737 = vector.broadcast %jit3A_735 : bf16 to vector<512x512xbf16>
      %select_n3A_738 = arith.select %le3A_733, %broadcast_in_dim3A_736, %broadcast_in_dim3A_737 : vector<512x512xi1>, vector<512x512xbf16>
      %dot_general3A_739 = arith.constant dense<0.000000e+00> : vector<512x1xf32>
      %dot_general3A_740 = tpu.matmul %select_n3A_738, %broadcast_in_dim3A_18, %dot_general3A_739 {dimension_numbers = #tpu.dot_dimension_numbers<[1], [0], [0], [1], [0, 0, 1, 1], [], []>, transpose_lhs_hint = false} : vector<512x512xbf16>, vector<512x1xbf16>, vector<512x1xf32> -> vector<512x1xf32>
      %add3A_741 = arith.constant 1 : i32
      %add3A_742 = arith.addi %while3A_44, %add3A_741 : i32
      %concatenate3A = tpu.concatenate %dot_general3A_110, %dot_general3A_120, %dot_general3A_130, %dot_general3A_140, %dot_general3A_150, %dot_general3A_160, %dot_general3A_170, %dot_general3A_180, %dot_general3A_190, %dot_general3A_200, %dot_general3A_210, %dot_general3A_220, %dot_general3A_230, %dot_general3A_240, %dot_general3A_250, %dot_general3A_260, %dot_general3A_270, %dot_general3A_280, %dot_general3A_290, %dot_general3A_300, %dot_general3A_310, %dot_general3A_320, %dot_general3A_330, %dot_general3A_340, %dot_general3A_350, %dot_general3A_360, %dot_general3A_370, %dot_general3A_380, %dot_general3A_390, %dot_general3A_400, %dot_general3A_410, %dot_general3A_420, %dot_general3A_430, %dot_general3A_440, %dot_general3A_450, %dot_general3A_460, %dot_general3A_470, %dot_general3A_480, %dot_general3A_490, %dot_general3A_500, %dot_general3A_510, %dot_general3A_520, %dot_general3A_530, %dot_general3A_540, %dot_general3A_550, %dot_general3A_560, %dot_general3A_570, %dot_general3A_580, %dot_general3A_590, %dot_general3A_600, %dot_general3A_610, %dot_general3A_620, %dot_general3A_630, %dot_general3A_640, %dot_general3A_650, %dot_general3A_660, %dot_general3A_670, %dot_general3A_680, %dot_general3A_690, %dot_general3A_700, %dot_general3A_710, %dot_general3A_720, %dot_general3A_730, %dot_general3A_740 in 1 : vector<512x1xf32>, vector<512x1xf32>, vector<512x1xf32>, vector<512x1xf32>, vector<512x1xf32>, vector<512x1xf32>, vector<512x1xf32>, vector<512x1xf32>, vector<512x1xf32>, vector<512x1xf32>, vector<512x1xf32>, vector<512x1xf32>, vector<512x1xf32>, vector<512x1xf32>, vector<512x1xf32>, vector<512x1xf32>, vector<512x1xf32>, vector<512x1xf32>, vector<512x1xf32>, vector<512x1xf32>, vector<512x1xf32>, vector<512x1xf32>, vector<512x1xf32>, vector<512x1xf32>, vector<512x1xf32>, vector<512x1xf32>, vector<512x1xf32>, vector<512x1xf32>, vector<512x1xf32>, vector<512x1xf32>, vector<512x1xf32>, vector<512x1xf32>, vector<512x1xf32>, vector<512x1xf32>, vector<512x1xf32>, vector<512x1xf32>, vector<512x1xf32>, vector<512x1xf32>, vector<512x1xf32>, vector<512x1xf32>, vector<512x1xf32>, vector<512x1xf32>, vector<512x1xf32>, vector<512x1xf32>, vector<512x1xf32>, vector<512x1xf32>, vector<512x1xf32>, vector<512x1xf32>, vector<512x1xf32>, vector<512x1xf32>, vector<512x1xf32>, vector<512x1xf32>, vector<512x1xf32>, vector<512x1xf32>, vector<512x1xf32>, vector<512x1xf32>, vector<512x1xf32>, vector<512x1xf32>, vector<512x1xf32>, vector<512x1xf32>, vector<512x1xf32>, vector<512x1xf32>, vector<512x1xf32>, vector<512x1xf32> -> vector<512x64xf32>
      %add3A_743 = arith.addf %while3A_45, %concatenate3A : vector<512x64xf32>
      %slice3A_744 = vector.extract_strided_slice %add3A_99 {offsets = [0, 511], sizes = [512, 1], strides = [1, 1]} : vector<512x512xf32> to vector<512x1xf32>
      scf.yield %add3A_742, %add3A_743, %slice3A_744 : i32, vector<512x64xf32>, vector<512x1xf32>
    }
    %slice3A = vector.extract_strided_slice %while3A_26#1 {offsets = [0, 0], sizes = [512, 1], strides = [1, 1]} : vector<512x64xf32> to vector<512x1xf32>
    %ge3A = arith.constant 1.000000e+00 : f32
    %ge3A_27 = vector.broadcast %ge3A : f32 to vector<512x1xf32>
    %ge3A_28 = arith.cmpf oge, %while3A_26#2, %ge3A_27 : vector<512x1xf32>
    %jit3A_29 = arith.constant 0.000000e+00 : f32
    %broadcast_in_dim3A_30 = vector.broadcast %jit3A_29 : f32 to vector<512x1xf32>
    %select_n3A_31 = arith.select %ge3A_28, %slice3A, %broadcast_in_dim3A_30 : vector<512x1xi1>, vector<512x1xf32>
    %iota3A_32 = tpu.iota {dimensions = array<i32: 1>} : vector<512x64xi32>
    %convert_element_type3A_33 = arith.sitofp %iota3A_32 : vector<512x64xi32> to vector<512x64xf32>
    %lt3A = vector.broadcast %while3A_26#2 : vector<512x1xf32> to vector<512x64xf32>
    %lt3A_34 = arith.cmpf olt, %convert_element_type3A_33, %lt3A : vector<512x64xf32>
    %broadcast_in_dim3A_35 = vector.shape_cast %select_n3A_31 : vector<512x1xf32> to vector<512x1xf32>
    %broadcast_in_dim3A_36 = vector.broadcast %broadcast_in_dim3A_35 : vector<512x1xf32> to vector<512x64xf32>
    %select_n3A_37 = arith.select %lt3A_34, %while3A_26#1, %broadcast_in_dim3A_36 : vector<512x64xi1>, vector<512x64xf32>
    %convert_element_type3A_38 = arith.fptosi %select_n3A_37 : vector<512x64xf32> to vector<512x64xi32>
    %swap3A = arith.constant 0 : index
    %swap3A_39 = arith.constant 0 : index
    %swap3A_40 = arith.constant 0 : index
    %swap3A_41 = vector.load %arg5[%swap3A, %swap3A_39, %swap3A_40] : memref<1x512x64xi32, #tpu.memory_space<vmem>>, vector<1x512x64xi32>
    %swap3A_42 = vector.shape_cast %swap3A_41 : vector<1x512x64xi32> to vector<512x64xi32>
    %swap3A_43 = vector.shape_cast %convert_element_type3A_38 : vector<512x64xi32> to vector<1x512x64xi32>
    tpu.vector_store %arg5[%swap3A, %swap3A_39, %swap3A_40], %swap3A_43 {strides = array<i32>} : memref<1x512x64xi32, #tpu.memory_space<vmem>>, vector<1x512x64xi32>,
    return
  }
  func.func @transform_0(%arg0: i32) -> (i32, i32, i32) {
    %c0_i32 = arith.constant 0 : i32
    %c0_i32_0 = arith.constant 0 : i32
    %c0_i32_1 = arith.constant 0 : i32
    return %arg0, %c0_i32, %c0_i32_0 : i32, i32, i32
  }
  func.func @transform_1(%arg0: i32) -> (i32, i32, i32, i32) {
    %c0_i32 = arith.constant 0 : i32
    %c0_i32_0 = arith.constant 0 : i32
    %c0_i32_1 = arith.constant 0 : i32
    %c0_i32_2 = arith.constant 0 : i32
    return %arg0, %c0_i32, %c0_i32_0, %c0_i32_1 : i32, i32, i32, i32
  }
  func.func @transform_2(%arg0: i32) -> (i32, i32, i32, i32) {
    %c1_i32 = arith.constant 1 : i32
    %c0_i32 = arith.constant 0 : i32
    %c0_i32_0 = arith.constant 0 : i32
    %c0_i32_1 = arith.constant 0 : i32
    return %arg0, %c1_i32, %c0_i32, %c0_i32_0 : i32, i32, i32, i32
  }
  func.func @transform_3(%arg0: i32) -> (i32, i32, i32, i32) {
    %c2_i32 = arith.constant 2 : i32
    %c0_i32 = arith.constant 0 : i32
    %c0_i32_0 = arith.constant 0 : i32
    %c0_i32_1 = arith.constant 0 : i32
    return %arg0, %c2_i32, %c0_i32, %c0_i32_0 : i32, i32, i32, i32
  }
  func.func @transform_4(%arg0: i32) -> (i32, i32, i32) {
    %c0_i32 = arith.constant 0 : i32
    %c0_i32_0 = arith.constant 0 : i32
    %c0_i32_1 = arith.constant 0 : i32
    return %arg0, %c0_i32, %c0_i32_0 : i32, i32, i32
  }
}

module attributes {stable_mosaic.version = 14 : i64} {
  func.func @_buildz_kernel(%arg0: i32, %arg1: i32, %arg2: memref<1x128x2048xf32, #tpu.memory_space<vmem>>, %arg3: memref<1x2048x3xf32, #tpu.memory_space<vmem>>, %arg4: memref<128x128xf32, #tpu.memory_space<vmem>>, %arg5: memref<128x3xf32, #tpu.memory_space<vmem>>, %arg6: memref<1x128xf32, #tpu.memory_space<vmem>>, %arg7: memref<1x2048x128xf32, #tpu.memory_space<vmem>>) attributes {dimension_semantics = [#tpu.dimension_semantics<arbitrary>, #tpu.dimension_semantics<arbitrary>], iteration_bounds = array<i64: 4, 4>, scalar_prefetch = 0 : i64, scratch_operands = 0 : i64, tpu.core_type = #tpu.core_type<tc>, window_params = [{transform_indices = @transform_0, window_bounds = array<i64: 1, 128, 2048>}, {transform_indices = @transform_1, window_bounds = array<i64: 1, 2048, 3>}, {pipeline_mode = #tpu.pipeline_mode<synchronous>, transform_indices = @transform_2, window_bounds = array<i64: 128, 128>}, {pipeline_mode = #tpu.pipeline_mode<synchronous>, transform_indices = @transform_3, window_bounds = array<i64: 128, 3>}, {pipeline_mode = #tpu.pipeline_mode<synchronous>, transform_indices = @transform_4, window_bounds = array<i64: 1, 128>}, {transform_indices = @transform_5, window_bounds = array<i64: 1, 2048, 128>}]} {
    %get3A = arith.constant 0 : index
    %get3A_0 = arith.constant 0 : index
    %get3A_1 = arith.constant 0 : index
    %get3A_2 = vector.load %arg2[%get3A, %get3A_0, %get3A_1] : memref<1x128x2048xf32, #tpu.memory_space<vmem>>, vector<1x128x2048xf32>
    %get3A_3 = vector.shape_cast %get3A_2 : vector<1x128x2048xf32> to vector<128x2048xf32>
    %get3A_4 = arith.constant 0 : index
    %get3A_5 = arith.constant 0 : index
    %get3A_6 = vector.load %arg4[%get3A_4, %get3A_5] : memref<128x128xf32, #tpu.memory_space<vmem>>, vector<128x128xf32>
    %dot_general3A = arith.constant dense<0.000000e+00> : vector<2048x128xf32>
    %dot_general3A_7 = tpu.matmul %get3A_3, %get3A_6, %dot_general3A {dimension_numbers = #tpu.dot_dimension_numbers<[0], [1], [1], [0], [0, 1, 1, 0], [], []>, transpose_lhs_hint = false} : vector<128x2048xf32>, vector<128x128xf32>, vector<2048x128xf32> -> vector<2048x128xf32>
    %get3A_8 = arith.constant 0 : index
    %get3A_9 = arith.constant 0 : index
    %get3A_10 = arith.constant 0 : index
    %get3A_11 = vector.load %arg3[%get3A_8, %get3A_9, %get3A_10] : memref<1x2048x3xf32, #tpu.memory_space<vmem>>, vector<1x2048x3xf32>
    %get3A_12 = vector.shape_cast %get3A_11 : vector<1x2048x3xf32> to vector<2048x3xf32>
    %get3A_13 = arith.constant 0 : index
    %get3A_14 = arith.constant 0 : index
    %get3A_15 = vector.load %arg5[%get3A_13, %get3A_14] : memref<128x3xf32, #tpu.memory_space<vmem>>, vector<128x3xf32>
    %dot_general3A_16 = arith.constant dense<0.000000e+00> : vector<2048x128xf32>
    %dot_general3A_17 = tpu.matmul %get3A_12, %get3A_15, %dot_general3A_16 {dimension_numbers = #tpu.dot_dimension_numbers<[1], [1], [0], [0], [0, 0, 1, 0], [], []>, transpose_lhs_hint = false} : vector<2048x3xf32>, vector<128x3xf32>, vector<2048x128xf32> -> vector<2048x128xf32>
    %add3A = arith.addf %dot_general3A_7, %dot_general3A_17 : vector<2048x128xf32>
    %get3A_18 = arith.constant 0 : index
    %get3A_19 = arith.constant 0 : index
    %get3A_20 = vector.load %arg6[%get3A_18, %get3A_19] : memref<1x128xf32, #tpu.memory_space<vmem>>, vector<1x128xf32>
    %add3A_21 = vector.broadcast %get3A_20 : vector<1x128xf32> to vector<2048x128xf32>
    %add3A_22 = arith.addf %add3A, %add3A_21 : vector<2048x128xf32>
    %swap3A = arith.constant 0 : index
    %swap3A_23 = arith.constant 0 : index
    %swap3A_24 = arith.constant 0 : index
    %swap3A_25 = vector.load %arg7[%swap3A, %swap3A_23, %swap3A_24] : memref<1x2048x128xf32, #tpu.memory_space<vmem>>, vector<1x2048x128xf32>
    %swap3A_26 = vector.shape_cast %swap3A_25 : vector<1x2048x128xf32> to vector<2048x128xf32>
    %swap3A_27 = vector.shape_cast %add3A_22 : vector<2048x128xf32> to vector<1x2048x128xf32>
    tpu.vector_store %arg7[%swap3A, %swap3A_23, %swap3A_24], %swap3A_27 {strides = array<i32>} : memref<1x2048x128xf32, #tpu.memory_space<vmem>>, vector<1x2048x128xf32>,
    return
  }
  func.func @transform_0(%arg0: i32, %arg1: i32) -> (i32, i32, i32) {
    %c0_i32 = arith.constant 0 : i32
    %c0_i32_0 = arith.constant 0 : i32
    return %arg0, %c0_i32, %arg1 : i32, i32, i32
  }
  func.func @transform_1(%arg0: i32, %arg1: i32) -> (i32, i32, i32) {
    %c0_i32 = arith.constant 0 : i32
    %c0_i32_0 = arith.constant 0 : i32
    return %arg0, %arg1, %c0_i32 : i32, i32, i32
  }
  func.func @transform_2(%arg0: i32, %arg1: i32) -> (i32, i32) {
    %c0_i32 = arith.constant 0 : i32
    %c0_i32_0 = arith.constant 0 : i32
    %c0_i32_1 = arith.constant 0 : i32
    return %c0_i32, %c0_i32_0 : i32, i32
  }
  func.func @transform_3(%arg0: i32, %arg1: i32) -> (i32, i32) {
    %c0_i32 = arith.constant 0 : i32
    %c0_i32_0 = arith.constant 0 : i32
    %c0_i32_1 = arith.constant 0 : i32
    return %c0_i32, %c0_i32_0 : i32, i32
  }
  func.func @transform_4(%arg0: i32, %arg1: i32) -> (i32, i32) {
    %c0_i32 = arith.constant 0 : i32
    %c0_i32_0 = arith.constant 0 : i32
    %c0_i32_1 = arith.constant 0 : i32
    return %c0_i32, %c0_i32_0 : i32, i32
  }
  func.func @transform_5(%arg0: i32, %arg1: i32) -> (i32, i32, i32) {
    %c0_i32 = arith.constant 0 : i32
    %c0_i32_0 = arith.constant 0 : i32
    return %arg0, %arg1, %c0_i32 : i32, i32, i32
  }
}

module attributes {stable_mosaic.version = 14 : i64} {
  func.func @_mlp_kernel(%arg0: i32, %arg1: i32, %arg2: memref<4096x128xf32, #tpu.memory_space<vmem>>, %arg3: memref<1x64x3xf32, #tpu.memory_space<vmem>>, %arg4: memref<128x3xf32, #tpu.memory_space<vmem>>, %arg5: memref<128x128xbf16, #tpu.memory_space<vmem>>, %arg6: memref<1x128xf32, #tpu.memory_space<vmem>>, %arg7: memref<128x256xbf16, #tpu.memory_space<vmem>>, %arg8: memref<1x256xf32, #tpu.memory_space<vmem>>, %arg9: memref<1x64x256xf32, #tpu.memory_space<vmem>>) attributes {dimension_semantics = [#tpu.dimension_semantics<arbitrary>, #tpu.dimension_semantics<arbitrary>], iteration_bounds = array<i64: 4, 8>, scalar_prefetch = 0 : i64, scratch_operands = 0 : i64, tpu.core_type = #tpu.core_type<tc>, window_params = [{transform_indices = @transform_0, window_bounds = array<i64: 4096, 128>}, {transform_indices = @transform_1, window_bounds = array<i64: 1, 64, 3>}, {pipeline_mode = #tpu.pipeline_mode<synchronous>, transform_indices = @transform_2, window_bounds = array<i64: 128, 3>}, {pipeline_mode = #tpu.pipeline_mode<synchronous>, transform_indices = @transform_3, window_bounds = array<i64: 128, 128>}, {pipeline_mode = #tpu.pipeline_mode<synchronous>, transform_indices = @transform_4, window_bounds = array<i64: 1, 128>}, {pipeline_mode = #tpu.pipeline_mode<synchronous>, transform_indices = @transform_5, window_bounds = array<i64: 128, 256>}, {pipeline_mode = #tpu.pipeline_mode<synchronous>, transform_indices = @transform_6, window_bounds = array<i64: 1, 256>}, {transform_indices = @transform_7, window_bounds = array<i64: 1, 64, 256>}]} {
    %get3A = arith.constant 0 : index
    %get3A_0 = arith.constant 0 : index
    %get3A_1 = arith.constant 0 : index
    %get3A_2 = vector.load %arg3[%get3A, %get3A_0, %get3A_1] : memref<1x64x3xf32, #tpu.memory_space<vmem>>, vector<1x64x3xf32>
    %get3A_3 = vector.shape_cast %get3A_2 : vector<1x64x3xf32> to vector<64x3xf32>
    %get3A_4 = arith.constant 0 : index
    %get3A_5 = arith.constant 0 : index
    %get3A_6 = vector.load %arg4[%get3A_4, %get3A_5] : memref<128x3xf32, #tpu.memory_space<vmem>>, vector<128x3xf32>
    %dot_general3A = arith.constant dense<0.000000e+00> : vector<64x128xf32>
    %dot_general3A_7 = tpu.matmul %get3A_3, %get3A_6, %dot_general3A {dimension_numbers = #tpu.dot_dimension_numbers<[1], [1], [0], [0], [0, 0, 1, 0], [], []>, transpose_lhs_hint = false} : vector<64x3xf32>, vector<128x3xf32>, vector<64x128xf32> -> vector<64x128xf32>
    %get3A_8 = arith.constant 0 : index
    %get3A_9 = arith.constant 0 : index
    %get3A_10 = vector.load %arg2[%get3A_8, %get3A_9] : memref<4096x128xf32, #tpu.memory_space<vmem>>, vector<4096x128xf32>
    %reshape3A = vector.shape_cast %get3A_10 : vector<4096x128xf32> to vector<64x64x128xf32>
    %reshape3A_11 = vector.shape_cast %dot_general3A_7 : vector<64x128xf32> to vector<64x1x128xf32>
    %broadcast_in_dim3A = vector.shape_cast %reshape3A_11 : vector<64x1x128xf32> to vector<64x1x128xf32>
    %broadcast_in_dim3A_12 = vector.broadcast %broadcast_in_dim3A : vector<64x1x128xf32> to vector<64x64x128xf32>
    %sub3A = arith.subf %reshape3A, %broadcast_in_dim3A_12 : vector<64x64x128xf32>
    %max3A = arith.constant 0.000000e+00 : f32
    %max3A_13 = vector.broadcast %max3A : f32 to vector<64x64x128xf32>
    %max3A_14 = arith.maximumf %sub3A, %max3A_13 : vector<64x64x128xf32>
    %reshape3A_15 = vector.shape_cast %max3A_14 : vector<64x64x128xf32> to vector<4096x128xf32>
    %convert_element_type3A = arith.truncf %reshape3A_15 : vector<4096x128xf32> to vector<4096x128xbf16>
    %get3A_16 = arith.constant 0 : index
    %get3A_17 = arith.constant 0 : index
    %get3A_18 = vector.load %arg5[%get3A_16, %get3A_17] : memref<128x128xbf16, #tpu.memory_space<vmem>>, vector<128x128xbf16>
    %dot_general3A_19 = arith.constant dense<0.000000e+00> : vector<4096x128xf32>
    %dot_general3A_20 = tpu.matmul %convert_element_type3A, %get3A_18, %dot_general3A_19 {dimension_numbers = #tpu.dot_dimension_numbers<[1], [0], [0], [1], [0, 0, 1, 1], [], []>, transpose_lhs_hint = false} : vector<4096x128xbf16>, vector<128x128xbf16>, vector<4096x128xf32> -> vector<4096x128xf32>
    %get3A_21 = arith.constant 0 : index
    %get3A_22 = arith.constant 0 : index
    %get3A_23 = vector.load %arg6[%get3A_21, %get3A_22] : memref<1x128xf32, #tpu.memory_space<vmem>>, vector<1x128xf32>
    %add3A = vector.broadcast %get3A_23 : vector<1x128xf32> to vector<4096x128xf32>
    %add3A_24 = arith.addf %dot_general3A_20, %add3A : vector<4096x128xf32>
    %max3A_25 = arith.constant 0.000000e+00 : f32
    %max3A_26 = vector.broadcast %max3A_25 : f32 to vector<4096x128xf32>
    %max3A_27 = arith.maximumf %add3A_24, %max3A_26 : vector<4096x128xf32>
    %convert_element_type3A_28 = arith.truncf %max3A_27 : vector<4096x128xf32> to vector<4096x128xbf16>
    %get3A_29 = arith.constant 0 : index
    %get3A_30 = arith.constant 0 : index
    %get3A_31 = vector.load %arg7[%get3A_29, %get3A_30] : memref<128x256xbf16, #tpu.memory_space<vmem>>, vector<128x256xbf16>
    %dot_general3A_32 = arith.constant dense<0.000000e+00> : vector<4096x256xf32>
    %dot_general3A_33 = tpu.matmul %convert_element_type3A_28, %get3A_31, %dot_general3A_32 {dimension_numbers = #tpu.dot_dimension_numbers<[1], [0], [0], [1], [0, 0, 1, 1], [], []>, transpose_lhs_hint = false} : vector<4096x128xbf16>, vector<128x256xbf16>, vector<4096x256xf32> -> vector<4096x256xf32>
    %get3A_34 = arith.constant 0 : index
    %get3A_35 = arith.constant 0 : index
    %get3A_36 = vector.load %arg8[%get3A_34, %get3A_35] : memref<1x256xf32, #tpu.memory_space<vmem>>, vector<1x256xf32>
    %add3A_37 = vector.broadcast %get3A_36 : vector<1x256xf32> to vector<4096x256xf32>
    %add3A_38 = arith.addf %dot_general3A_33, %add3A_37 : vector<4096x256xf32>
    %max3A_39 = arith.constant 0.000000e+00 : f32
    %max3A_40 = vector.broadcast %max3A_39 : f32 to vector<4096x256xf32>
    %max3A_41 = arith.maximumf %add3A_38, %max3A_40 : vector<4096x256xf32>
    %reshape3A_42 = vector.shape_cast %max3A_41 : vector<4096x256xf32> to vector<64x64x256xf32>
    %reduce_max3A = arith.constant dense<0xFF800000> : vector<64x256xf32>
    %reduce_max3A_43 = vector.multi_reduction <maximumf>, %reshape3A_42, %reduce_max3A [1] : vector<64x64x256xf32> to vector<64x256xf32>
    %swap3A = arith.constant 0 : index
    %swap3A_44 = arith.constant 0 : index
    %swap3A_45 = arith.constant 0 : index
    %swap3A_46 = vector.load %arg9[%swap3A, %swap3A_44, %swap3A_45] : memref<1x64x256xf32, #tpu.memory_space<vmem>>, vector<1x64x256xf32>
    %swap3A_47 = vector.shape_cast %swap3A_46 : vector<1x64x256xf32> to vector<64x256xf32>
    %swap3A_48 = vector.shape_cast %reduce_max3A_43 : vector<64x256xf32> to vector<1x64x256xf32>
    tpu.vector_store %arg9[%swap3A, %swap3A_44, %swap3A_45], %swap3A_48 {strides = array<i32>} : memref<1x64x256xf32, #tpu.memory_space<vmem>>, vector<1x64x256xf32>,
    return
  }
  func.func @transform_0(%arg0: i32, %arg1: i32) -> (i32, i32) {
    %mul3A = arith.constant 8 : i32
    %mul3A_0 = arith.muli %arg0, %mul3A : i32
    %add3A = arith.addi %mul3A_0, %arg1 : i32
    %c0_i32 = arith.constant 0 : i32
    %c0_i32_1 = arith.constant 0 : i32
    return %add3A, %c0_i32 : i32, i32
  }
  func.func @transform_1(%arg0: i32, %arg1: i32) -> (i32, i32, i32) {
    %c0_i32 = arith.constant 0 : i32
    %c0_i32_0 = arith.constant 0 : i32
    return %arg0, %arg1, %c0_i32 : i32, i32, i32
  }
  func.func @transform_2(%arg0: i32, %arg1: i32) -> (i32, i32) {
    %c0_i32 = arith.constant 0 : i32
    %c0_i32_0 = arith.constant 0 : i32
    %c0_i32_1 = arith.constant 0 : i32
    return %c0_i32, %c0_i32_0 : i32, i32
  }
  func.func @transform_3(%arg0: i32, %arg1: i32) -> (i32, i32) {
    %c0_i32 = arith.constant 0 : i32
    %c0_i32_0 = arith.constant 0 : i32
    %c0_i32_1 = arith.constant 0 : i32
    return %c0_i32, %c0_i32_0 : i32, i32
  }
  func.func @transform_4(%arg0: i32, %arg1: i32) -> (i32, i32) {
    %c0_i32 = arith.constant 0 : i32
    %c0_i32_0 = arith.constant 0 : i32
    %c0_i32_1 = arith.constant 0 : i32
    return %c0_i32, %c0_i32_0 : i32, i32
  }
  func.func @transform_5(%arg0: i32, %arg1: i32) -> (i32, i32) {
    %c0_i32 = arith.constant 0 : i32
    %c0_i32_0 = arith.constant 0 : i32
    %c0_i32_1 = arith.constant 0 : i32
    return %c0_i32, %c0_i32_0 : i32, i32
  }
  func.func @transform_6(%arg0: i32, %arg1: i32) -> (i32, i32) {
    %c0_i32 = arith.constant 0 : i32
    %c0_i32_0 = arith.constant 0 : i32
    %c0_i32_1 = arith.constant 0 : i32
    return %c0_i32, %c0_i32_0 : i32, i32
  }
  func.func @transform_7(%arg0: i32, %arg1: i32) -> (i32, i32, i32) {
    %c0_i32 = arith.constant 0 : i32
    %c0_i32_0 = arith.constant 0 : i32
    return %arg0, %arg1, %c0_i32 : i32, i32, i32
  }
}

</mosaic_0001>

<sc_bundles>
// kernel: kernel.7.cloned.1.call-start
scs
__scs_entry_jumppad:
0x0: {  	(pc) =	sbr.rel $0x88, $3  }
0x1: {  	(tag) =	ssettag $0x0;
	lr =	simm.s32 $0x1  }
0x2: {  	[smem:$0x3F99] =	sst lr;
	_ =	strace $0xD0000000  }
0x3: {  	_ = 	snop  }
0x4: {  	_ = 	snop  }
0x5: {  	_ = 	snop  }
0x6: {  	_ = 	snop  }
0x7: {  	_ = 	snop  }
__scs_overlays_trampoline_lowered:
0x8: {  	[smem:$0x3FA8] =	sst s0  }
0x9: {  	[smem:$0x3FA9] =	sst s1  }
0xa: {  	[smem:$0x3FAA] =	sst s2  }
0xb: {  	[smem:$0x3FAB] =	sst s3  }
0xc: {  	[smem:$0x3FAC] =	sst s4  }
0xd: {  	[smem:$0x3FAD] =	sst s5  }
0xe: {  	[smem:$0x3FAE] =	sst s6  }
0xf: {  	[smem:$0x3FAF] =	sst s7  }
0x10: {  	[smem:$0x3FB0] =	sst s8  }
0x11: {  	[smem:$0x3FB1] =	sst s9;
	s0 =	simm.s32 @!p0 $0x0  }
0x12: {  	s1 =	sld [smem:$0x3F97];
	s0 =	simm.s32 @p0 $0x1  }
0x13: {  	[smem:$0x3FB2] =	sst s0;
	s0 =	simm.s32 @!p1 $0x0  }
0x14: {  	s2 =	sld [smem:$0x3F96];
	s0 =	simm.s32 @p1 $0x1  }
0x15: {  	[smem:$0x3FB3] =	sst s0;
	s0 =	simm.s32 @!p2 $0x0  }
0x16: {  	s3 =	sld [smem:$0x3FDB];
	s0 =	simm.s32 @p2 $0x1  }
0x17: {  	s4 =	simm.s32 $0x1BF5;
	[smem:$0x3FB5] =	sst s0  }
0x18: {  	s0 =	sld [smem:$0x3F98];
	_ =	swait.ge [sflag:s4], $0x0  }
0x19: {  	s7 =	sld [smem:$0x3F99]  }
0x1a: {  	s8 =	sadd.s32 $0xFFFFE003, lr  }
0x1b: {  	s9 =	sadd.s32 $0xFFFFFEF7, lr;
	s5 =	simm.s32 $0xFFFFFFFF;
	p2 =	slt.u32 s8, $0xFFFFF086  }
0x1c: {  	p1 =	slt.u32 s9, $0xF7A;
	s5 =	simm.s32 @!p2 $0x0  }
0x1d: {  	s5 =	simm.s32 @p1 $0x1;
	p0 =	seq.s32 s7, s2  }
0x1e: {  	s7 =	smul.u32 @!p0 $0xF7A, s2;
	p2 =	seq.s32 @!p0 s5, $0x0  }
0x1f: {  	s9 =	smul.u32 $0xF7A, s1;
	s8 =	simm.s32 @!p0 $0x1BF5;
	p2 =	por !p2, p0  }
0x20: {  	[sflag:s8] =	ssyncset.s32 @!p0 $0xFFFFF086;
	s6 =	sadd.s32 @!p0 s3, s7;
	s7 =	simm.s32 @!p0 $0x108  }
0x21: {  	s3 =	sadd.s32 s3, s9;
	s6 =	sadd.s32 @!p0 $0x88, s6;
	s7 =	simm.s32 @p2 $0x1082  }
0x22: {  	[simem:s7], [sflag:s8] =	dma.local @!p0 [hbm:s6], $0xF7A  }
0x23: {  	s9 =	sor.u32 $0xD0000000, s2;
	s6 =	simm.s32 $0x108;
	_ =	swait.ge @!p0 [sflag:s8], $0x0  }
0x24: {  	s3 =	sadd.s32 $0x88, s3;
	s6 =	simm.s32 @!p1 $0x1082;
	[sflag:s4] =	ssyncset.s32 $0xFFFFF086  }
0x25: {  	[simem:s6], [sflag:s4] =	dma.local [hbm:s3], $0xF7A  }
0x26: {  	[smem:$0x3F99] =	sst s1;
	(tag) =	ssettag s2;
	_ =	strace s9  }
0x27: {  	s1 =	sld [smem:$0x3FA9]  }
0x28: {  	s2 =	sld [smem:$0x3FAA]  }
0x29: {  	s4 =	sld [smem:$0x3FAC]  }
0x2a: {  	p0 =	seq.s32 s5, $0x0;
	s5 =	sld [smem:$0x3FAD]  }
0x2b: {  	s6 =	sld [smem:$0x3FAE]  }
0x2c: {  	s7 =	sld [smem:$0x3FAF]  }
0x2d: {  	s3 =	simm.s32 $0x108;
	s8 =	sld [smem:$0x3FB0]  }
0x2e: {  	s3 =	simm.s32 @!p0 $0x1082;
	s9 =	sld [smem:$0x3FB1]  }
0x2f: {  	lr =	sadd.s32 s0, s3;
	s0 =	sld [smem:$0x3FA8]  }
0x30: {  	s3 =	sld [smem:$0x3FAB]  }
0x31: {  	[smem:$0x3FB4] =	sst s10  }
0x32: {  	s10 =	sld [smem:$0x3FB2];
	_ =	sdelay $0x3  }
0x33: {  	p0 =	seq.s32 s10, $0x1;
	s10 =	sld [smem:$0x3FB4];
	_ =	sdelay $0x3  }
0x34: {  	[smem:$0x3FB4] =	sst s10  }
0x35: {  	s10 =	sld [smem:$0x3FB3];
	_ =	sdelay $0x3  }
0x36: {  	p1 =	seq.s32 s10, $0x1;
	s10 =	sld [smem:$0x3FB4];
	_ =	sdelay $0x3  }
0x37: {  	[smem:$0x3FB4] =	sst s10  }
0x38: {  	s10 =	sld [smem:$0x3FB5]  }
0x39: {  	_ = 	snop;
	(pc) =	sbr.ind lr, $3  }
0x3a: {  	_ = 	snop  }
0x3b: {  	_ = 	snop  }
0x3c: {  	p2 =	seq.s32 s10, $0x1;
	s10 =	sld [smem:$0x3FB4]  }
0x3d: {  	_ =	shalt  }
0x3e: {  	_ =	shalt  }
0x3f: {  	_ =	shalt  }
0x40: {  	_ =	shalt  }
0x41: {  	_ =	shalt  }
0x42: {  	_ =	shalt  }
0x43: {  	_ =	shalt  }
0x44: {  	_ =	shalt  }
0x45: {  	_ =	shalt  }
0x46: {  	_ =	shalt  }
0x47: {  	_ =	shalt  }
0x48: {  	_ =	shalt  }
0x49: {  	_ =	shalt  }
0x4a: {  	_ =	shalt  }
0x4b: {  	_ =	shalt  }
0x4c: {  	_ =	shalt  }
0x4d: {  	_ =	shalt  }
0x4e: {  	_ =	shalt  }
0x4f: {  	_ =	shalt  }
0x50: {  	_ =	shalt  }
0x51: {  	_ =	shalt  }
0x52: {  	_ =	shalt  }
0x53: {  	_ =	shalt  }
0x54: {  	_ =	shalt  }
0x55: {  	_ =	shalt  }
0x56: {  	_ =	shalt  }
0x57: {  	_ =	shalt  }
0x58: {  	_ =	shalt  }
0x59: {  	_ =	shalt  }
0x5a: {  	_ =	shalt  }
0x5b: {  	_ =	shalt  }
0x5c: {  	_ =	shalt  }
0x5d: {  	_ =	shalt  }
0x5e: {  	_ =	shalt  }
0x5f: {  	_ =	shalt  }
0x60: {  	_ =	shalt  }
0x61: {  	_ =	shalt  }
0x62: {  	_ =	shalt  }
0x63: {  	_ =	shalt  }
0x64: {  	_ =	shalt  }
0x65: {  	_ =	shalt  }
0x66: {  	_ =	shalt  }
0x67: {  	_ =	shalt  }
0x68: {  	_ =	shalt  }
0x69: {  	_ =	shalt  }
0x6a: {  	_ =	shalt  }
0x6b: {  	_ =	shalt  }
0x6c: {  	_ =	shalt  }
0x6d: {  	_ =	shalt  }
0x6e: {  	_ =	shalt  }
0x6f: {  	_ =	shalt  }
0x70: {  	_ =	shalt  }
0x71: {  	_ =	shalt  }
0x72: {  	_ =	shalt  }
0x73: {  	_ =	shalt  }
0x74: {  	_ =	shalt  }
0x75: {  	_ =	shalt  }
0x76: {  	_ =	shalt  }
0x77: {  	_ =	shalt  }
0x78: {  	_ =	shalt  }
0x79: {  	_ =	shalt  }
0x7a: {  	_ =	shalt  }
0x7b: {  	_ =	shalt  }
0x7c: {  	_ =	shalt  }
0x7d: {  	_ =	shalt  }
0x7e: {  	_ =	shalt  }
0x7f: {  	_ =	shalt  }
0x80: {  	_ =	shalt  }
0x81: {  	_ =	shalt  }
0x82: {  	_ =	shalt  }
0x83: {  	_ =	shalt  }
0x84: {  	_ =	shalt  }
0x85: {  	_ =	shalt  }
0x86: {  	_ =	shalt  }
0x87: {  	_ =	shalt  }
.Lfunc_end0:
.L_simem_size_0:
called_computation_lowered:
.L_overlay_start_0:
0x88: {  	s2 =	sld [smem:$0x3FD9]  }
0x89: {  	s3 =	sld [smem:$0x3FFE];
	_ =	sdelay $0x1  }
0x8a: {  	s1 =	srdreg.scid  }
0x8b: {  	s0 =	sand.u32 $0x1, s1  }
0x8c: {  	s14 =	sshll.u32 s0, $0xA;
	s2 =	sadd.s32 s3, s2  }
0x8d: {  	s2 =	sadd.s32 s2, s14  }
0x8e: {  	[smem:$0x3FC0] =	sst s2  }
0x8f: {  	_ = 	snop  }
0x90: {  	s2 =	sld [smem:$0x3FD0];
	_ =	sdelay $0x2  }
0x91: {  	s15 =	simm.s32 $0xA;
	s4 =	simm.s32 $0x10  }
0x92: {  	[smem:s4], [sflag:s15] =	dma.local [hbm:s2], $0x1  }
0x93: {  	_ =	swait.eq [sflag:s15], $0x1  }
0x94: {  	[sflag:s15] =	ssyncset.done $0x0  }
0x95: {  	[sflag:s15] =	ssyncadd.s32 $0xFFFFFFFF  }
0x96: {  	s16 =	sld [smem:$0x11];
	(tm) =	ssettm $0x1  }
0x97: {  	s17 =	sld [smem:$0x3FFB];
	_ =	sdelay $0x3  }
0x98: {  	_ =	strace s17  }
0x99: {  	s3 =	sld [smem:$0x3FFC];
	_ =	sdelay $0x3  }
0x9a: {  	_ =	strace s3  }
0x9b: {  	s3 =	sld [smem:$0x3FFD];
	_ =	sdelay $0x3  }
0x9c: {  	_ =	strace s3  }
0x9d: {  	_ =	strace $0x8FFFFFFF  }
0x9e: {  	s18 =	sld [smem:$0x3FDB];
	_ =	sdelay $0x1  }
0x9f: {  	s19 =	simm.s32 $_scs_section_size  }
0xa0: {  	s5 =	simm.s32 $_size__tile_overlayer_lowered;
	s6 =	simm.s32 $_tile_overlayer_lowered  }
0xa1: {  	s22 =	simm.s32 $0x1BFF;
	s21 =	sshll.u32 s6, $0x1;
	s3 =	sadd.s32 s19, s18  }
0xa2: {  	s7 =	simm.s32 $0x0;
	s20 =	sshll.u32 s5, $0x1;
	s5 =	sadd.s32 s21, s3  }
0xa3: {  	[timem:s7], [sflag:s22] =	dma.local [hbm:s5], s20  }
0xa4: {  	_ =	swait.ge [sflag:s22], s20  }
0xa5: {  	s4 =	ssub.s32 $0x0, s20;
	[sflag:s22] =	ssyncset.done $0x0  }
0xa6: {  	[sflag:s22] =	ssyncadd.s32 s4;
	_ =	sdelay $0x1  }
0xa7: {  	s23 =	simm.s32 $0x1B8B  }
0xa8: {  	_ =	swait.ge [sflag:s23], $0x1  }
0xa9: {  	[sflag:s23] =	ssyncset.done $0x0  }
0xaa: {  	s25 =	simm.s32 $0x1B8E;
	s24 =	sld [smem:$0x3FFE];
	[sflag:s23] =	ssyncadd.s32 $0xFFFFFFFF  }
0xab: {  	s26 =	simm.s32 $execute0_lowered;
	[smem:$0x3FD2] =	sst s25  }
0xac: {  	s5 =	sshll.u32 s26, $0x1;
	_ =	strace $0x80000046;
	[dreg:$0x1] =	wrdreg $0xFFFFFFFF  }
0xad: {  	s28 =	simm.s32 $_size_execute0_lowered;
	s3 =	sadd.s32 s3, s5;
	[dreg:$0x0] =	wrdreg $0x0  }
0xae: {  	s5 =	sshll.u32 s28, $0x1;
	[dreg:$0x2] =	wrdreg s3  }
0xaf: {  	[dreg:$0x3] =	wrdreg s5  }
0xb0: {  	[dreg:$0x4] =	wrdreg $0xC0  }
0xb1: {  	_ =	task [dreg:s7], $0x5FFFF  }
0xb2: {  	[dreg:$0x1] =	wrdreg $0xFFFFFFFF  }
0xb3: {  	[dreg:$0x0] =	wrdreg $0x60  }
0xb4: {  	[dreg:$0x2] =	wrdreg s24  }
0xb5: {  	[dreg:$0x3] =	wrdreg s16  }
0xb6: {  	[dreg:$0x4] =	wrdreg $0x9  }
0xb7: {  	_ =	task.clear_ibuf [dreg:s7], $0x5FFFF;
	_ =	strace $0x90000046  }
0xb8: {  	s29 =	simm.s32 $0x9;
	_ =	strace $0x8000004F  }
0xb9: {  	_ =	swait.ge [sflag:s29], $0x1  }
0xba: {  	[sflag:s29] =	ssyncadd.s32 $0xFFFFFFFF  }
0xbb: {  	_ =	strace $0x9000004F  }
0xbc: {  	_ =	sfence  }
0xbd: {  	s30 =	sld [smem:$0x0];
	_ =	sdelay $0x2  }
0xbe: {  	s31 =	sshll.u32 s1, $0xD;
	s1 =	sshrl.u32 s1, $0x2  }
0xbf: {  	s3 =	sand.u32 $0x4000, s31;
	s1 =	sadd.s32 s1, s30  }
0xc0: {  	s0 =	sor.u32 s3, s0;
	s1 =	sshll.u32 s1, $0x11  }
0xc1: {  	s0 =	sor.u32 s1, s0  }
0xc2: {  	s0 =	sadd.s32 $0x8F2B, s0  }
0xc3: {  	[sflag:s0] =	ssyncadd.remote.s32 $0x1  }
0xc4: {  	_ =	sfence.sel $0xFFFF  }
0xc5: {  	[dreg:$0x0] =	wrdreg $0xFFFFFFFF;
	(pc) =	sbr.abs _section_cstart, $3  }
0xc6: {  	[dreg:$0x1] =	wrdreg $0xFFFFFFFF  }
0xc7: {  	_ =	task.clear_ibuf [dreg:s7], $0x2FFFF;
	_ =	strace $0x9FFFFFFF  }
0xc8: {  	(tm) =	ssettm $0x7FFFFFFF  }
0xc9: {  	_ =	shalt  }
tec
execute0_lowered:
.L_overlay_start_1:
0x0: {  	(tag) =	ssettag $0x1  }
0x1: {  	s4 =	rddreg [dreg:$0x0]  }
0x2: {  	s1 =	rddreg [dreg:$0x1]  }
0x3: {  	s0 =	rddreg [dreg:$0x2];
	s2 =	simm.s32 $0x0  }
0x4: {  	s5 =	srdreg.scid;
	s8 =	simm.s32 $0x100;
	s9 =	simm.s32 $0x4  }
0x5: {  	s10 =	simm.s32 $0x0;
	[smem:$0x7FF] =	sst s2;
	s3 =	sadd.s32 $0x1800, s4  }
0x6: {  	s4 =	sadd.s32 $0x81800, s4;
	_ =	strace $0x80000047;
	[dreg:$0x3] =	wrdreg s3  }
0x7: {  	s5 =	sand.u32 $0x1, s5;
	s3 =	stileid.u32;
	[dreg:$0x5] =	wrdreg s4  }
0x8: {  	s6 =	ssub.s32 $0x2, s5;
	s5 =	sshll.u32 s5, $0x4;
	[dreg:$0x4] =	wrdreg s8  }
0x9: {  	s8 =	simm.s32 $0x5;
	s7 =	sshrl.u32 s6, $0x1;
	s5 =	sor.u32 s3, s5  }
0xa: {  	s6 =	ssub.s32 s6, s7;
	s31 =	sshll.u32 s5, $0x9;
	s4 =	sshll.u32 s5, $0x4  }
0xb: {  	s7 =	simm.s32 $0x1;
	s5 =	sadd.s32 s1, s31;
	s6 =	smax.u32 s6, $0x1  }
.LBB2_1:
0xc: {  	_ =	strace $0x80000048;
	s11 =	simm.s32 $0x1;
	p0 =	por $0x0, $0x0  }
0xd: {  	[tilespmem:s2], [sflag:$0x1] =	stream.linear.gather [hbm4b:s5+s2], $0x100, $0x200038;
	[tilespmem:$0x10200] =	vst v63  }
0xe: {  	s11 =	simm.s32 @p0 $0x0  }
0xf: {  	p4 =	por $0x1, $0x1;
	s20 =	sand.u32 $0x1, s2;
	p1 =	sne.s32 s11, $0x0  }
0x10: {  	p2 =	por $0x1, $0x1;
	s18 =	simm.s32 $0xE;
	p0 =	por !p4, !p1  }
0x11: {  	s16 =	simm.s32 $0x0;
	p5 =	por $0x0, $0x0;
	p0 =	por !p0, !p0  }
0x12: {  	s23 =	sadd.s32 $0x0, s4;
	s30 =	sadd.s32 $0x1, s20;
	s12 =	sadd.s32 @p0 s4, s11  }
0x13: {  	_ =	strace $0x90000048;
	s13 =	sand.u32 @p0 $0x1, s7;
	s12 =	sshll.u32 @p0 s12, $0x5  }
0x14: {  	_ =	strace @p0 $0x80000049;
	s15 =	simm.s32 @p0 $0x0;
	s12 =	sand.u32 @p0 $0x1FFFFFE0, s12  }
0x15: {  	s14 =	sshll.u32 @p0 s13, $0x8;
	s13 =	sadd.s32 @p0 $0x1, s13;
	s12 =	sadd.s32 @p0 s1, s12  }
0x16: {  	[tilespmem:s14], [sflag:s13] =	stream.linear.gather @p0 [hbm4b:s12+s15], $0x100, $0x200038;
	[tilespmem:$0x10200] =	vst v63  }
0x17: {  	p3 =	por p2, p2;
	s21 =	sshll.u32 s20, $0xF;
	_ =	strace @p0 $0x90000049  }
0x18: {  	s16 =	sand.u32 $0x100, s16;
	p2 =	por p5, p5;
	_ =	strace $0x8000004A  }
0x19: {  	s17 =	sadd.s32 $0x1, s11;
	s22 =	sor.u32 $0x200, s21;
	_ =	swait.ge [sflag:s30], $0x100  }
0x1a: {  	s21 =	simm.s32 $0x1;
	p6 =	por p1, p1;
	[sflag:s30] =	ssyncset.done $0x0  }
0x1b: {  	p1 =	por p3, p3;
	p4 =	por $0x1, $0x1;
	[sflag:s30] =	ssyncadd.s32 $0xFFFFFF00  }
0x1c: {  	s12 =	simm.s32 $0xF;
	s15 =	sand.u32 @!p3 $0x1, s2;
	_ =	strace $0x9000004A  }
0x1d: {  	s13 =	simm.s32 $0x1;
	p3 =	seq.s32 s17, $0x10;
	_ =	strace $0x8000004B  }
0x1e: {  	s13 =	simm.s32 @!p0 $0x0;
	s17 =	simm.s32 @p3 $0x0;
	s19 =	rddreg [dreg:$0x4]  }
0x1f: {  	p0 =	por $0x0, $0x0;
	s14 =	sadd.s32 $0x1, s13;
	s31 =	rddreg [dreg:$0x3]  }
0x20: {  	[tilespmem:s22], [sflag:$0x5] =	stream.indirect.gather [hbm4b:s31+s19], $0x80, s16, s19, $0x2000b8;
	[tilespmem:$0x10200] =	vst v63  }
0x21: {  	p3 =	sne.s32 s11, s17;
	s21 =	simm.s32 @!p0 $0x0;
	_ =	swait.ge [sflag:s8], $0x8000  }
0x22: {  	p5 =	por !p4, !p3;
	p4 =	por $0x0, $0x0;
	[sflag:s8] =	ssyncset.done $0x0  }
0x23: {  	s13 =	simm.s32 $0x0;
	p6 =	por p4, p6;
	[sflag:s8] =	ssyncadd.s32 $0xFFFF8000  }
0x24: {  	s16 =	simm.s32 $0x0;
	s19 =	simm.s32 $0x0;
	_ =	strace $0x9000004B  }
.LBB2_2:
0x25: {  	_ =	strace @p6 $0x8000004C;
	s13 =	sadd.s32 s21, s13;
	s21 =	smov.u32 s12  }
0x26: {  	s12 =	smov.u32 s18;
	s18 =	sadd.s32 $0xFFFFFFFF, s18;
	p0 =	por p3, p3  }
0x27: {  	s28 =	sshll.u32 @p6 s23, $0xC;
	s20 =	sadd.s32 @p6 $0x3, s20;
	s24 =	simm.s32 @!p0 $0x0  }
0x28: {  	s25 =	rddreg [dreg:$0x5];
	s28 =	sand.u32 @p6 $0x1FFFF000, s28;
	s24 =	simm.s32 @p0 $0x1  }
0x29: {  	s25 =	sadd.s32 @p6 s25, s28;
	s28 =	simm.s32 @p6 $0x0;
	p0 =	sne.s32 s18, $0x0  }
0x2a: {  	[hbm4b:s25+s28] =	stream.linear.scatter @p6 [tilespmem:s22], [sflag:s20], $0x8000, $0x200038;
	[tilespmem:$0x10200] =	vst v63  }
0x2b: {  	s20 =	sadd.s32 @!p1 $0x3, s15;
	s15 =	simm.s32 @!p0 $0x0  }
0x2c: {  	s26 =	simm.s32 $0x1;
	[smem:$0x7FC] =	sst s24;
	s15 =	simm.s32 @p0 $0x1  }
0x2d: {  	s26 =	simm.s32 @!p6 $0x0;
	_ =	strace @p6 $0x9000004C;
	[smem:$0x7FD] =	sst s15  }
0x2e: {  	p5 =	por !p5, !p5;
	s19 =	sadd.s32 s26, s19;
	_ =	strace @!p1 $0x8000004D  }
0x2f: {  	s24 =	sand.u32 @!p2 $0x1, s13;
	s22 =	sand.u32 @p5 $0x1, s14;
	_ =	swait.ge @!p1 [sflag:s20], $0x8000  }
0x30: {  	s15 =	smov.u32 s24;
	s24 =	sadd.s32 @p5 s4, s17;
	[sflag:s20] =	ssyncset.done @!p1 $0x0  }
0x31: {  	s25 =	sshll.u32 @p5 s22, $0x8;
	s24 =	sshll.u32 @p5 s24, $0x5;
	[sflag:s20] =	ssyncadd.s32 @!p1 $0xFFFF8000  }
0x32: {  	s20 =	sadd.s32 @p5 $0x1, s22;
	s22 =	sand.u32 @p5 $0x1FFFFFE0, s24;
	_ =	strace @!p1 $0x9000004D  }
0x33: {  	s24 =	simm.s32 @p5 $0x0;
	s22 =	sadd.s32 @p5 s1, s22;
	_ =	strace @p5 $0x80000049  }
0x34: {  	[tilespmem:s25], [sflag:s20] =	stream.linear.gather @p5 [hbm4b:s22+s24], $0x100, $0x200038;
	[tilespmem:$0x10200] =	vst v63  }
0x35: {  	s16 =	sadd.s32 s26, s16;
	s26 =	sand.u32 $0x1, s19;
	_ =	strace @p5 $0x90000049  }
0x36: {  	s24 =	sadd.s32 $0x1, s26;
	_ =	strace $0x8000004A  }
0x37: {  	_ =	swait.ge [sflag:s24], $0x100  }
0x38: {  	[sflag:s24] =	ssyncset.done $0x0  }
0x39: {  	s20 =	simm.s32 $0x1;
	[sflag:s24] =	ssyncadd.s32 $0xFFFFFF00  }
0x3a: {  	s20 =	simm.s32 @!p5 $0x0;
	_ =	strace $0x9000004A  }
0x3b: {  	s14 =	sadd.s32 s20, s14;
	s20 =	sand.u32 $0x1, s16;
	_ =	strace $0x8000004B  }
0x3c: {  	s29 =	sshll.u32 s19, $0x8;
	s25 =	sshll.u32 s20, $0xF;
	s26 =	rddreg [dreg:$0x4]  }
0x3d: {  	s29 =	sand.u32 $0x100, s29;
	s22 =	sor.u32 $0x200, s25;
	s30 =	rddreg [dreg:$0x3]  }
0x3e: {  	[tilespmem:s22], [sflag:$0x5] =	stream.indirect.gather [hbm4b:s30+s26], $0x80, s29, s26, $0x2000b8;
	[tilespmem:$0x10200] =	vst v63  }
0x3f: {  	_ =	swait.ge [sflag:s8], $0x8000  }
0x40: {  	s31 =	sadd.s32 $0x1, s17;
	[sflag:s8] =	ssyncset.done $0x0  }
0x41: {  	s23 =	sadd.s32 s4, s11;
	s11 =	smov.u32 s17;
	[sflag:s8] =	ssyncadd.s32 $0xFFFF8000  }
0x42: {  	p3 =	seq.s32 s31, $0x10;
	s17 =	smov.u32 s31;
	_ =	strace $0x9000004B  }
0x43: {  	s17 =	simm.s32 @p3 $0x0;
	s31 =	sld [smem:$0x7FD]  }
0x44: {  	p6 =	sne.s32 s12, $0x1;
	p0 =	sne.s32 s21, $0x10;
	p3 =	sne.s32 s11, s17  }
0x45: {  	p5 =	por !p6, !p3;
	p6 =	seq.s32 s21, $0x1;
	s21 =	simm.s32 $0x1  }
0x46: {  	s21 =	simm.s32 @!p0 $0x0;
	p0 =	seq.s32 s31, $0x1  }
.Ltmp0:
0x47: {  	s30 =	sld [smem:$0x7FC];
	(pc) =	sbr.rel @p0 .LBB2_2-.Ltmp0, $4  }
0x48: {  	_ = 	snop  }
0x49: {  	p4 =	seq.s32 s12, $0x10  }
0x4a: {  	p1 =	por p2, p2;
	p2 =	por p4, p4;
	p4 =	seq.s32 s30, $0x1  }
0x4b: {  	p6 =	por p6, p4  }
0x4c: {  	_ =	strace @p6 $0x8000004C;
	s23 =	sshll.u32 @p6 s23, $0xC  }
0x4d: {  	s18 =	rddreg [dreg:$0x5];
	s23 =	sand.u32 @p6 $0x1FFFF000, s23  }
0x4e: {  	s20 =	sadd.s32 @p6 $0x3, s20;
	s18 =	sadd.s32 @p6 s18, s23;
	s23 =	simm.s32 @p6 $0x0  }
0x4f: {  	[hbm4b:s18+s23] =	stream.linear.scatter @p6 [tilespmem:s22], [sflag:s20], $0x8000, $0x200038;
	[tilespmem:$0x10200] =	vst v63  }
0x50: {  	p0 =	por !p5, !p5;
	_ =	strace @p6 $0x9000004C  }
0x51: {  	s15 =	sadd.s32 @!p1 $0x3, s15;
	s17 =	sadd.s32 @p0 s4, s17;
	_ =	strace @!p1 $0x8000004D  }
0x52: {  	s14 =	sand.u32 @p0 $0x1, s14;
	s17 =	sshll.u32 @p0 s17, $0x5;
	_ =	swait.ge @!p1 [sflag:s15], $0x8000  }
0x53: {  	s18 =	simm.s32 $0x1;
	s20 =	sshll.u32 @p0 s14, $0x8;
	[sflag:s15] =	ssyncset.done @!p1 $0x0  }
0x54: {  	s14 =	sadd.s32 @p0 $0x1, s14;
	s18 =	simm.s32 @!p6 $0x0;
	[sflag:s15] =	ssyncadd.s32 @!p1 $0xFFFF8000  }
0x55: {  	s19 =	sadd.s32 s18, s19;
	s15 =	sand.u32 @p0 $0x1FFFFFE0, s17;
	_ =	strace @!p1 $0x9000004D  }
0x56: {  	s17 =	simm.s32 @p0 $0x0;
	s15 =	sadd.s32 @p0 s1, s15;
	_ =	strace @p0 $0x80000049  }
0x57: {  	[tilespmem:s20], [sflag:s14] =	stream.linear.gather @p0 [hbm4b:s15+s17], $0x100, $0x200038;
	[tilespmem:$0x10200] =	vst v63  }
0x58: {  	s25 =	sand.u32 $0x1, s19;
	_ =	strace @p0 $0x90000049  }
0x59: {  	s14 =	sadd.s32 $0x1, s25;
	_ =	strace $0x8000004A  }
0x5a: {  	_ =	swait.ge [sflag:s14], $0x100  }
0x5b: {  	[sflag:s14] =	ssyncset.done $0x0  }
0x5c: {  	[sflag:s14] =	ssyncadd.s32 $0xFFFFFF00  }
0x5d: {  	s26 =	sadd.s32 s18, s16;
	_ =	strace $0x9000004A  }
0x5e: {  	s14 =	sand.u32 $0x1, s26;
	_ =	strace $0x8000004B  }
0x5f: {  	s30 =	sshll.u32 s19, $0x8;
	s31 =	sshll.u32 s14, $0xF;
	s28 =	rddreg [dreg:$0x4]  }
0x60: {  	s17 =	sand.u32 $0x100, s30;
	s18 =	sor.u32 $0x200, s31;
	s29 =	rddreg [dreg:$0x3]  }
0x61: {  	[tilespmem:s18], [sflag:$0x5] =	stream.indirect.gather [hbm4b:s29+s28], $0x80, s17, s28, $0x2000b8;
	[tilespmem:$0x10200] =	vst v63  }
0x62: {  	_ =	swait.ge [sflag:s8], $0x8000  }
0x63: {  	[sflag:s8] =	ssyncset.done $0x0  }
0x64: {  	p5 =	por p3, p3;
	p6 =	seq.s32 s12, $0x1;
	[sflag:s8] =	ssyncadd.s32 $0xFFFF8000  }
0x65: {  	s11 =	sadd.s32 s4, s11;
	p0 =	por p6, p5;
	_ =	strace $0x9000004B  }
0x66: {  	s11 =	sshll.u32 @p0 s11, $0xC;
	_ =	strace @p0 $0x8000004C  }
0x67: {  	s13 =	sadd.s32 s21, s13;
	s11 =	sand.u32 @p0 $0x1FFFF000, s11;
	s12 =	rddreg [dreg:$0x5]  }
0x68: {  	s14 =	sadd.s32 @p0 $0x3, s14;
	s11 =	sadd.s32 @p0 s12, s11;
	s12 =	simm.s32 @p0 $0x0  }
0x69: {  	[hbm4b:s11+s12] =	stream.linear.scatter @p0 [tilespmem:s18], [sflag:s14], $0x8000, $0x200038;
	[tilespmem:$0x10200] =	vst v63  }
0x6a: {  	p1 =	por p2, p2;
	s11 =	sand.u32 @!p2 $0x1, s13;
	_ =	strace @p0 $0x9000004C  }
0x6b: {  	s11 =	sadd.s32 @!p1 $0x3, s11;
	_ =	strace @!p1 $0x8000004D  }
0x6c: {  	_ =	swait.ge @!p1 [sflag:s11], $0x8000  }
0x6d: {  	[sflag:s11] =	ssyncset.done @!p1 $0x0  }
0x6e: {  	s10 =	sadd.s32 $0x1, s10;
	[sflag:s11] =	ssyncadd.s32 @!p1 $0xFFFF8000  }
0x6f: {  	p0 =	sne.s32 s10, s6;
	_ =	strace @!p1 $0x9000004D  }
.Ltmp1:
0x70: {  	_ =	strace $0x8000004E;
	(pc) =	sbr.rel @p0 .LBB2_1-.Ltmp1, $4  }
0x71: {  	_ =	swait.ge [sflag:s9], $0x8000  }
0x72: {  	[sflag:s9] =	ssyncset.done $0x0  }
0x73: {  	[sflag:s9] =	ssyncadd.s32 $0xFFFF8000  }
0x74: {  	_ =	strace $0x9000004E  }
0x75: {  	_ =	sfence.sel $0x180000  }
0x76: {  	[bflag:$0x0] =	sbarrier.arrive $0xFFFF  }
0x77: {  	p0 =	sne.s32 s3, $0x0;
	_ =	strace $0x90000047  }
0x78: {  	s0 =	sadd.s32 @!p0 $0x100000, s0;
	[bflag:$0x2] =	sbarrier.arrive $0xFFFF  }
0x79: {  	[sflag:s0] =	ssyncadd.tile.s32 @!p0 $0x1;
	_ =	shalt  }
.Lfunc_end2:
_tile_overlayer_lowered:
.L_overlay_start_2:
0x7a: {  	(tag) =	ssettag $0x2  }
0x7b: {  	s0 =	rddreg [dreg:$0x0];
	s2 =	stileid.u32  }
0x7c: {  	s1 =	rddreg [dreg:$0x1];
	p0 =	sne.s32 s2, $0x0  }
0x7d: {  	s3 =	rddreg [dreg:$0x2];
	[bflag:$0x3] =	sbarrier.arrive $0xFFFF;
	s2 =	simm.s32 @!p0 $0x1C01  }
0x7e: {  	[timem:s3], [sflag:s2] =	dma.local @!p0 [hbm:s0], s1  }
0x7f: {  	s0 =	simm.s32 @!p0 $0x1  }
0x80: {  	_ =	swait.ge @!p0 [sflag:s0], s1  }
0x81: {  	s1 =	ssub.s32 @!p0 $0x0, s1;
	[sflag:s0] =	ssyncset.done @!p0 $0x0  }
0x82: {  	[sflag:s0] =	ssyncadd.s32 @!p0 s1  }
0x83: {  	[bflag:$0x3] =	sbarrier.arrive $0xFFFF  }
0x84: {  	_ =	shalt  }

</sc_bundles>
